<compile_context>
chip_gen: v7x
topology: tpu7x:2x2x1
jax: 0.10.2.dev20260603
libtpu: 0.0.44.dev20260713+nightly
codegen_flags: <defaults>
</compile_context>

<pallas_src>
import functools

import jax
import jax.numpy as jnp
from jax import lax
from jax.experimental import pallas as pl
from jax.experimental.pallas import tpu as pltpu
from jax.experimental.pallas import tpu_sc as plsc

D_MODEL = 64
DPAD = 128
SCALE = 8.0
LANES = 16
IB = 128
NBUF = 2
GAHEAD = 1


@functools.lru_cache(maxsize=None)
def _build(S, N):
    info = plsc.get_sparse_core_info()
    NC, NS = info.num_cores, info.num_subcores
    NW = NC * NS
    nblk = N // IB
    t_per_w = S * nblk // NW
    assert t_per_w % NBUF == 0
    mesh = plsc.VectorSubcoreMesh(core_axis_name="c", subcore_axis_name="s")

    @functools.partial(
        pl.kernel,
        mesh=mesh,
        out_type=jax.ShapeDtypeStruct((S * D_MODEL, N), jnp.float32),
        scratch_types=(
            [pltpu.VMEM((IB,), jnp.int32) for _ in range(NBUF)]
            + [pltpu.VMEM((IB, DPAD), jnp.float32) for _ in range(NBUF)]
            + [pltpu.VMEM((D_MODEL, IB), jnp.float32) for _ in range(NBUF)]
            + [pltpu.SemaphoreType.DMA] * 3
        ),
        compiler_params=pltpu.CompilerParams(needs_layout_passes=False),
    )
    def k(xt_hbm, tp_hbm, out_hbm, *refs):
        idx_v = refs[0:NBUF]
        rows_v = refs[NBUF:2 * NBUF]
        rt_v = refs[2 * NBUF:3 * NBUF]
        isem, gsem, wsem = refs[3 * NBUF:]
        wid = lax.axis_index("s") * NC + lax.axis_index("c")
        t0 = wid * t_per_w

        def task_jc(g):
            t = t0 + g
            return t // nblk, (t % nblk) * IB

        def fire_idx(g, b):
            j, i0 = task_jc(g)
            pltpu.async_copy(xt_hbm.at[j, pl.ds(i0, IB)], idx_v[b], isem)

        def fire_gather(b):
            for h in range(IB // 128):
                pltpu.async_copy(
                    tp_hbm.at[idx_v[b].at[pl.ds(h * 128, 128)]],
                    rows_v[b].at[pl.ds(h * 128, 128)], gsem)

        def drain_rows(b):
            pltpu.make_async_copy(tp_hbm.at[pl.ds(0, IB)], rows_v[b],
                                  gsem).wait()

        def drain_wr(b):
            pltpu.make_async_copy(
                out_hbm.at[pl.ds(0, D_MODEL), pl.ds(0, IB)], rt_v[b],
                wsem).wait()

        def drain_idx(b):
            pltpu.make_async_copy(xt_hbm.at[0, pl.ds(0, IB)], idx_v[b],
                                  isem).wait()

        for b in range(NBUF):
            fire_idx(b, b)
        for b in range(GAHEAD):
            drain_idx(b)
            fire_gather(b)

        cvecs = [lax.iota(jnp.int32, LANES) + (cb * LANES)
                 for cb in range(D_MODEL // LANES)]

        def outer(g2, carry):
            for b in range(NBUF):
                g = g2 * NBUF + b
                drain_rows(b)

                @pl.when(g + NBUF < t_per_w)
                def _():
                    fire_idx(g + NBUF, b)

                @pl.when(g + GAHEAD < t_per_w)
                def _():
                    gb = (b + GAHEAD) % NBUF
                    drain_idx(gb)
                    fire_gather(gb)

                @pl.when(g >= NBUF)
                def _():
                    drain_wr(b)

                rows_b = rows_v[b]
                rt_b = rt_v[b]

                @plsc.parallel_loop(0, IB, unroll=8)
                def tr_body(i):
                    ivec = jnp.full((LANES,), i, jnp.int32)
                    for cb in range(D_MODEL // LANES):
                        v = rows_b[i, pl.ds(cb * LANES, LANES)]
                        plsc.store_scatter(rt_b, [cvecs[cb], ivec],
                                           v * SCALE)

                j, i0 = task_jc(g)
                pltpu.async_copy(
                    rt_b,
                    out_hbm.at[pl.ds(j * D_MODEL, D_MODEL), pl.ds(i0, IB)],
                    wsem,
                )
            return carry

        lax.fori_loop(0, t_per_w // NBUF, outer, 0)
        for b in range(NBUF):
            drain_wr(b)

    return k


BLKV = 4096


@functools.lru_cache(maxsize=None)
def _tc_prep(V):
    def body(in_ref, out_ref):
        out_ref[:, 0:D_MODEL] = jnp.swapaxes(in_ref[...], 0, 1)

    return pl.pallas_call(
        body,
        grid=((V + BLKV - 1) // BLKV,),
        in_specs=[pl.BlockSpec((D_MODEL, BLKV), lambda b: (0, b))],
        out_specs=pl.BlockSpec((BLKV, DPAD), lambda b: (b, 0)),
        out_shape=jax.ShapeDtypeStruct((V, DPAD), jnp.float32),
    )


def kernel(x, table):
    N, S = x.shape
    V = table.shape[0]
    xt = jnp.transpose(x).astype(jnp.int32)
    tp = _tc_prep(V)(jnp.transpose(table))
    out2 = _build(S, N)(xt, tp)
    out3 = out2.reshape(S, D_MODEL, N)
    return jnp.transpose(out3, (2, 0, 1))

# --- scband reference (transcript-rebuilt; emitter-appended) ---
"""Pipeline reference for scband-embeddings-16260746182852 (READ-ONLY COPY).

The authoritative reference and input builder live on the scoring server;
editing this copy changes nothing except your own understanding.
"""

import jax, jax.numpy as jnp
import numpy as np

SRC_VOCAB = 1000000
D_MODEL = 64

def setup_inputs(seed: int = 0) -> dict:
    key = jax.random.key(seed)
    k1, k2 = jax.random.split(key)
    x = jax.random.randint(k1, (16384, 50), 0, SRC_VOCAB, dtype=jnp.int64)
    table = jax.random.normal(k2, (SRC_VOCAB, D_MODEL), dtype=jnp.float32)
    return {"x": x, "table": table}

def reference(x, table):
    out = jnp.take(table, x, axis=0) * np.sqrt(D_MODEL)
    return out

if __name__ == "__main__":
    import jax
    _d = setup_inputs()
    print(jax.jit(kernel)(*tuple(_d.values())))

</pallas_src>

<mosaic_0001>
#map = affine_map<(d0, d1) -> (0, 0)>
module attributes {stable_mosaic.version = 14 : i64} {
  func.func @k(%arg0: i32, %arg1: i32, %arg2: memref<50x16384xi32, #tpu.memory_space<hbm>>, %arg3: memref<1000000x128xf32, #tpu.memory_space<hbm>>, %arg4: memref<3200x16384xf32, #tpu.memory_space<hbm>>, %arg5: memref<128xi32, #tpu.memory_space<vmem>>, %arg6: memref<128xi32, #tpu.memory_space<vmem>>, %arg7: memref<128x128xf32, #tpu.memory_space<vmem>>, %arg8: memref<128x128xf32, #tpu.memory_space<vmem>>, %arg9: memref<64x128xf32, #tpu.memory_space<vmem>>, %arg10: memref<64x128xf32, #tpu.memory_space<vmem>>, %arg11: memref<!tpu.dma_semaphore, #tpu.memory_space<semaphore_mem>>, %arg12: memref<!tpu.dma_semaphore, #tpu.memory_space<semaphore_mem>>, %arg13: memref<!tpu.dma_semaphore, #tpu.memory_space<semaphore_mem>>) attributes {dimension_semantics = [#tpu.dimension_semantics<core_parallel>, #tpu.dimension_semantics<subcore_parallel>], iteration_bounds = array<i64: 2, 16>, scalar_prefetch = 0 : i64, scratch_operands = 9 : i64, tpu.core_type = #tpu.core_type<sc_vector_subcore>, window_params = [{transform_indices = #map}, {transform_indices = #map}, {transform_indices = #map}]} {
    %mul3A = arith.constant 2 : i32
    %mul3A_0 = arith.muli %arg1, %mul3A : i32
    %add3A = arith.addi %mul3A_0, %arg0 : i32
    %mul3A_1 = arith.constant 200 : i32
    %mul3A_2 = arith.muli %add3A, %mul3A_1 : i32
    %add3A_3 = arith.constant 0 : i32
    %add3A_4 = arith.addi %mul3A_2, %add3A_3 : i32
    %jit3A = arith.constant 128 : i32
    %div3A = arith.divsi %add3A_4, %jit3A : i32
    %sign3A = arith.constant 0 : i32
    %sign3A_5 = arith.cmpi sgt, %add3A_4, %sign3A : i32
    %sign3A_6 = arith.extui %sign3A_5 : i1 to i32
    %sign3A_7 = arith.constant 0 : i32
    %sign3A_8 = arith.cmpi slt, %add3A_4, %sign3A_7 : i32
    %sign3A_9 = arith.extui %sign3A_8 : i1 to i32
    %sign3A_10 = arith.subi %sign3A_6, %sign3A_9 : i32
    %sign3A_11 = arith.constant 0 : i32
    %sign3A_12 = arith.cmpi sgt, %jit3A, %sign3A_11 : i32
    %sign3A_13 = arith.extui %sign3A_12 : i1 to i32
    %sign3A_14 = arith.constant 0 : i32
    %sign3A_15 = arith.cmpi slt, %jit3A, %sign3A_14 : i32
    %sign3A_16 = arith.extui %sign3A_15 : i1 to i32
    %sign3A_17 = arith.subi %sign3A_13, %sign3A_16 : i32
    %ne3A = arith.cmpi ne, %sign3A_10, %sign3A_17 : i32
    %rem3A = arith.remsi %add3A_4, %jit3A : i32
    %ne3A_18 = arith.constant 0 : i32
    %ne3A_19 = arith.cmpi ne, %rem3A, %ne3A_18 : i32
    %and3A = arith.andi %ne3A, %ne3A_19 : i1
    %sub3A = arith.constant 1 : i32
    %sub3A_20 = arith.subi %div3A, %sub3A : i32
    %select_n3A = arith.select %and3A, %sub3A_20, %div3A : i32
    %jit3A_21 = arith.constant 128 : i32
    %eq3A = arith.constant 0 : i32
    %eq3A_22 = arith.cmpi eq, %jit3A_21, %eq3A : i32
    %jit3A_23 = arith.constant 1 : i32
    %select_n3A_24 = arith.select %eq3A_22, %jit3A_23, %jit3A_21 : i32
    %rem3A_25 = arith.remsi %add3A_4, %select_n3A_24 : i32
    %ne3A_26 = arith.constant 0 : i32
    %ne3A_27 = arith.cmpi ne, %rem3A_25, %ne3A_26 : i32
    %lt3A = arith.constant 0 : i32
    %lt3A_28 = arith.cmpi slt, %rem3A_25, %lt3A : i32
    %lt3A_29 = arith.constant 0 : i32
    %lt3A_30 = arith.cmpi slt, %select_n3A_24, %lt3A_29 : i32
    %ne3A_31 = arith.xori %lt3A_28, %lt3A_30 : i1
    %and3A_32 = arith.andi %ne3A_31, %ne3A_27 : i1
    %add3A_33 = arith.addi %rem3A_25, %select_n3A_24 : i32
    %select_n3A_34 = arith.select %and3A_32, %add3A_33, %rem3A_25 : i32
    %mul3A_35 = arith.constant 128 : i32
    %mul3A_36 = arith.muli %select_n3A_34, %mul3A_35 : i32
    %dma_start3A = tpu.memref_slice %arg2[%select_n3A, %mul3A_36] : memref<50x16384xi32, #tpu.memory_space<hbm>> -> memref<1x128xi32, #tpu.memory_space<hbm>>
    %dma_start3A_37 = tpu.memref_squeeze %dma_start3A : memref<1x128xi32, #tpu.memory_space<hbm>> -> memref<128xi32, #tpu.memory_space<hbm>>
    %dma_start3A_38 = tpu.memref_slice %arg2[%select_n3A, %mul3A_36] : memref<50x16384xi32, #tpu.memory_space<hbm>> -> memref<1x128xi32, #tpu.memory_space<hbm>>
    %dma_start3A_39 = tpu.memref_squeeze %dma_start3A_38 : memref<1x128xi32, #tpu.memory_space<hbm>> -> memref<128xi32, #tpu.memory_space<hbm>>
    tpu.enqueue_dma source(%dma_start3A_39 : memref<128xi32, #tpu.memory_space<hbm>>) target(%arg5 : memref<128xi32, #tpu.memory_space<vmem>>) target_semaphore(%arg11 : memref<!tpu.dma_semaphore, #tpu.memory_space<semaphore_mem>>)
    %add3A_40 = arith.constant 1 : i32
    %add3A_41 = arith.addi %mul3A_2, %add3A_40 : i32
    %jit3A_42 = arith.constant 128 : i32
    %div3A_43 = arith.divsi %add3A_41, %jit3A_42 : i32
    %sign3A_44 = arith.constant 0 : i32
    %sign3A_45 = arith.cmpi sgt, %add3A_41, %sign3A_44 : i32
    %sign3A_46 = arith.extui %sign3A_45 : i1 to i32
    %sign3A_47 = arith.constant 0 : i32
    %sign3A_48 = arith.cmpi slt, %add3A_41, %sign3A_47 : i32
    %sign3A_49 = arith.extui %sign3A_48 : i1 to i32
    %sign3A_50 = arith.subi %sign3A_46, %sign3A_49 : i32
    %sign3A_51 = arith.constant 0 : i32
    %sign3A_52 = arith.cmpi sgt, %jit3A_42, %sign3A_51 : i32
    %sign3A_53 = arith.extui %sign3A_52 : i1 to i32
    %sign3A_54 = arith.constant 0 : i32
    %sign3A_55 = arith.cmpi slt, %jit3A_42, %sign3A_54 : i32
    %sign3A_56 = arith.extui %sign3A_55 : i1 to i32
    %sign3A_57 = arith.subi %sign3A_53, %sign3A_56 : i32
    %ne3A_58 = arith.cmpi ne, %sign3A_50, %sign3A_57 : i32
    %rem3A_59 = arith.remsi %add3A_41, %jit3A_42 : i32
    %ne3A_60 = arith.constant 0 : i32
    %ne3A_61 = arith.cmpi ne, %rem3A_59, %ne3A_60 : i32
    %and3A_62 = arith.andi %ne3A_58, %ne3A_61 : i1
    %sub3A_63 = arith.constant 1 : i32
    %sub3A_64 = arith.subi %div3A_43, %sub3A_63 : i32
    %select_n3A_65 = arith.select %and3A_62, %sub3A_64, %div3A_43 : i32
    %jit3A_66 = arith.constant 128 : i32
    %eq3A_67 = arith.constant 0 : i32
    %eq3A_68 = arith.cmpi eq, %jit3A_66, %eq3A_67 : i32
    %jit3A_69 = arith.constant 1 : i32
    %select_n3A_70 = arith.select %eq3A_68, %jit3A_69, %jit3A_66 : i32
    %rem3A_71 = arith.remsi %add3A_41, %select_n3A_70 : i32
    %ne3A_72 = arith.constant 0 : i32
    %ne3A_73 = arith.cmpi ne, %rem3A_71, %ne3A_72 : i32
    %lt3A_74 = arith.constant 0 : i32
    %lt3A_75 = arith.cmpi slt, %rem3A_71, %lt3A_74 : i32
    %lt3A_76 = arith.constant 0 : i32
    %lt3A_77 = arith.cmpi slt, %select_n3A_70, %lt3A_76 : i32
    %ne3A_78 = arith.xori %lt3A_75, %lt3A_77 : i1
    %and3A_79 = arith.andi %ne3A_78, %ne3A_73 : i1
    %add3A_80 = arith.addi %rem3A_71, %select_n3A_70 : i32
    %select_n3A_81 = arith.select %and3A_79, %add3A_80, %rem3A_71 : i32
    %mul3A_82 = arith.constant 128 : i32
    %mul3A_83 = arith.muli %select_n3A_81, %mul3A_82 : i32
    %dma_start3A_84 = tpu.memref_slice %arg2[%select_n3A_65, %mul3A_83] : memref<50x16384xi32, #tpu.memory_space<hbm>> -> memref<1x128xi32, #tpu.memory_space<hbm>>
    %dma_start3A_85 = tpu.memref_squeeze %dma_start3A_84 : memref<1x128xi32, #tpu.memory_space<hbm>> -> memref<128xi32, #tpu.memory_space<hbm>>
    %dma_start3A_86 = tpu.memref_slice %arg2[%select_n3A_65, %mul3A_83] : memref<50x16384xi32, #tpu.memory_space<hbm>> -> memref<1x128xi32, #tpu.memory_space<hbm>>
    %dma_start3A_87 = tpu.memref_squeeze %dma_start3A_86 : memref<1x128xi32, #tpu.memory_space<hbm>> -> memref<128xi32, #tpu.memory_space<hbm>>
    tpu.enqueue_dma source(%dma_start3A_87 : memref<128xi32, #tpu.memory_space<hbm>>) target(%arg6 : memref<128xi32, #tpu.memory_space<vmem>>) target_semaphore(%arg11 : memref<!tpu.dma_semaphore, #tpu.memory_space<semaphore_mem>>)
    %dma_wait3A = arith.constant 0 : i32
    %dma_wait3A_88 = arith.constant 0 : i32
    %dma_wait3A_89 = tpu.memref_slice %arg2[%dma_wait3A, %dma_wait3A_88] : memref<50x16384xi32, #tpu.memory_space<hbm>> -> memref<1x128xi32, #tpu.memory_space<hbm>>
    %dma_wait3A_90 = tpu.memref_squeeze %dma_wait3A_89 : memref<1x128xi32, #tpu.memory_space<hbm>> -> memref<128xi32, #tpu.memory_space<hbm>>
    %dma_wait3A_91 = arith.constant 0 : i32
    %dma_wait3A_92 = tpu.memref_slice %arg2[%dma_wait3A, %dma_wait3A_91] : memref<50x16384xi32, #tpu.memory_space<hbm>> -> memref<1x128xi32, #tpu.memory_space<hbm>>
    %dma_wait3A_93 = tpu.memref_squeeze %dma_wait3A_92 : memref<1x128xi32, #tpu.memory_space<hbm>> -> memref<128xi32, #tpu.memory_space<hbm>>
    tpu.wait_dma2 semaphore(%arg11 : memref<!tpu.dma_semaphore, #tpu.memory_space<semaphore_mem>>) src(%dma_wait3A_93 : memref<128xi32, #tpu.memory_space<hbm>>) dst(%arg5 : memref<128xi32, #tpu.memory_space<vmem>>)
    %dma_start3A_94 = arith.constant 0 : i32
    %dma_start3A_95 = arith.constant 0 : i32
    %dma_start3A_96 = tpu.memref_slice %arg7[%dma_start3A_94, %dma_start3A_95] : memref<128x128xf32, #tpu.memory_space<vmem>> -> memref<128x128xf32, #tpu.memory_space<vmem>>
    %dma_start3A_97 = arith.constant 0 : i32
    %dma_start3A_98 = tpu.memref_slice %arg5[%dma_start3A_97] : memref<128xi32, #tpu.memory_space<vmem>> -> memref<128xi32, #tpu.memory_space<vmem>>
    %dma_start3A_99 = arith.constant 0 : i32
    %dma_start3A_100 = arith.constant 0 : i32
    %dma_start3A_101 = tpu.memref_slice %arg3[%dma_start3A_99, %dma_start3A_100] : memref<1000000x128xf32, #tpu.memory_space<hbm>> -> memref<1000000x128xf32, #tpu.memory_space<hbm>>
    tpu.enqueue_indirect_dma source(%dma_start3A_101 : memref<1000000x128xf32, #tpu.memory_space<hbm>>) target(%dma_start3A_96 : memref<128x128xf32, #tpu.memory_space<vmem>>) offsets(%dma_start3A_98 : memref<128xi32, #tpu.memory_space<vmem>>) semaphore(%arg12 : memref<!tpu.dma_semaphore, #tpu.memory_space<semaphore_mem>>)
    %iota3A = tpu.iota {dimensions = array<i32: 0>} : vector<16xi32>
    %add3A_102 = arith.constant 0 : i32
    %add3A_103 = vector.broadcast %add3A_102 : i32 to vector<16xi32>
    %add3A_104 = arith.addi %iota3A, %add3A_103 : vector<16xi32>
    %iota3A_105 = tpu.iota {dimensions = array<i32: 0>} : vector<16xi32>
    %add3A_106 = arith.constant 16 : i32
    %add3A_107 = vector.broadcast %add3A_106 : i32 to vector<16xi32>
    %add3A_108 = arith.addi %iota3A_105, %add3A_107 : vector<16xi32>
    %iota3A_109 = tpu.iota {dimensions = array<i32: 0>} : vector<16xi32>
    %add3A_110 = arith.constant 32 : i32
    %add3A_111 = vector.broadcast %add3A_110 : i32 to vector<16xi32>
    %add3A_112 = arith.addi %iota3A_109, %add3A_111 : vector<16xi32>
    %iota3A_113 = tpu.iota {dimensions = array<i32: 0>} : vector<16xi32>
    %add3A_114 = arith.constant 48 : i32
    %add3A_115 = vector.broadcast %add3A_114 : i32 to vector<16xi32>
    %add3A_116 = arith.addi %iota3A_113, %add3A_115 : vector<16xi32>
    %scan3A = arith.constant 0 : i32
    %scan3A_117 = arith.constant 0 : i32
    %scan3A_118 = arith.constant 100 : i32
    %scan3A_119 = arith.addi %scan3A_117, %scan3A_118 : i32
    %scan3A_120 = arith.constant 1 : i32
    scf.for %scan3A_134 = %scan3A_117 to %scan3A_119 step %scan3A_120  : i32 {
      %mul3A_135 = arith.constant 2 : i32
      %mul3A_136 = arith.muli %scan3A_134, %mul3A_135 : i32
      %add3A_137 = arith.constant 0 : i32
      %add3A_138 = arith.addi %mul3A_136, %add3A_137 : i32
      %dma_wait3A_139 = arith.constant 0 : i32
      %dma_wait3A_140 = arith.constant 0 : i32
      %dma_wait3A_141 = tpu.memref_slice %arg3[%dma_wait3A_139, %dma_wait3A_140] : memref<1000000x128xf32, #tpu.memory_space<hbm>> -> memref<128x128xf32, #tpu.memory_space<hbm>>
      %dma_wait3A_142 = arith.constant 0 : i32
      %dma_wait3A_143 = arith.constant 0 : i32
      %dma_wait3A_144 = tpu.memref_slice %arg3[%dma_wait3A_142, %dma_wait3A_143] : memref<1000000x128xf32, #tpu.memory_space<hbm>> -> memref<128x128xf32, #tpu.memory_space<hbm>>
      tpu.wait_dma2 semaphore(%arg12 : memref<!tpu.dma_semaphore, #tpu.memory_space<semaphore_mem>>) src(%dma_wait3A_144 : memref<128x128xf32, #tpu.memory_space<hbm>>) dst(%arg7 : memref<128x128xf32, #tpu.memory_space<vmem>>)
      %add3A_145 = arith.constant 2 : i32
      %add3A_146 = arith.addi %add3A_138, %add3A_145 : i32
      %lt3A_147 = arith.constant 200 : i32
      %lt3A_148 = arith.cmpi slt, %add3A_146, %lt3A_147 : i32
      %convert_element_type3A = arith.extui %lt3A_148 : i1 to i32
      %cond3A = arith.constant 0 : i32
      %cond3A_149 = arith.cmpi ne, %convert_element_type3A, %cond3A : i32
      scf.if %cond3A_149 {
        %add3A_289 = arith.constant 2 : i32
        %add3A_290 = arith.addi %add3A_138, %add3A_289 : i32
        %add3A_291 = arith.addi %mul3A_2, %add3A_290 : i32
        %jit3A_292 = arith.constant 128 : i32
        %div3A_293 = arith.divsi %add3A_291, %jit3A_292 : i32
        %sign3A_294 = arith.constant 0 : i32
        %sign3A_295 = arith.cmpi sgt, %add3A_291, %sign3A_294 : i32
        %sign3A_296 = arith.extui %sign3A_295 : i1 to i32
        %sign3A_297 = arith.constant 0 : i32
        %sign3A_298 = arith.cmpi slt, %add3A_291, %sign3A_297 : i32
        %sign3A_299 = arith.extui %sign3A_298 : i1 to i32
        %sign3A_300 = arith.subi %sign3A_296, %sign3A_299 : i32
        %sign3A_301 = arith.constant 0 : i32
        %sign3A_302 = arith.cmpi sgt, %jit3A_292, %sign3A_301 : i32
        %sign3A_303 = arith.extui %sign3A_302 : i1 to i32
        %sign3A_304 = arith.constant 0 : i32
        %sign3A_305 = arith.cmpi slt, %jit3A_292, %sign3A_304 : i32
        %sign3A_306 = arith.extui %sign3A_305 : i1 to i32
        %sign3A_307 = arith.subi %sign3A_303, %sign3A_306 : i32
        %ne3A_308 = arith.cmpi ne, %sign3A_300, %sign3A_307 : i32
        %rem3A_309 = arith.remsi %add3A_291, %jit3A_292 : i32
        %ne3A_310 = arith.constant 0 : i32
        %ne3A_311 = arith.cmpi ne, %rem3A_309, %ne3A_310 : i32
        %and3A_312 = arith.andi %ne3A_308, %ne3A_311 : i1
        %sub3A_313 = arith.constant 1 : i32
        %sub3A_314 = arith.subi %div3A_293, %sub3A_313 : i32
        %select_n3A_315 = arith.select %and3A_312, %sub3A_314, %div3A_293 : i32
        %jit3A_316 = arith.constant 128 : i32
        %eq3A_317 = arith.constant 0 : i32
        %eq3A_318 = arith.cmpi eq, %jit3A_316, %eq3A_317 : i32
        %jit3A_319 = arith.constant 1 : i32
        %select_n3A_320 = arith.select %eq3A_318, %jit3A_319, %jit3A_316 : i32
        %rem3A_321 = arith.remsi %add3A_291, %select_n3A_320 : i32
        %ne3A_322 = arith.constant 0 : i32
        %ne3A_323 = arith.cmpi ne, %rem3A_321, %ne3A_322 : i32
        %lt3A_324 = arith.constant 0 : i32
        %lt3A_325 = arith.cmpi slt, %rem3A_321, %lt3A_324 : i32
        %lt3A_326 = arith.constant 0 : i32
        %lt3A_327 = arith.cmpi slt, %select_n3A_320, %lt3A_326 : i32
        %ne3A_328 = arith.xori %lt3A_325, %lt3A_327 : i1
        %and3A_329 = arith.andi %ne3A_328, %ne3A_323 : i1
        %add3A_330 = arith.addi %rem3A_321, %select_n3A_320 : i32
        %select_n3A_331 = arith.select %and3A_329, %add3A_330, %rem3A_321 : i32
        %mul3A_332 = arith.constant 128 : i32
        %mul3A_333 = arith.muli %select_n3A_331, %mul3A_332 : i32
        %dma_start3A_334 = tpu.memref_slice %arg2[%select_n3A_315, %mul3A_333] : memref<50x16384xi32, #tpu.memory_space<hbm>> -> memref<1x128xi32, #tpu.memory_space<hbm>>
        %dma_start3A_335 = tpu.memref_squeeze %dma_start3A_334 : memref<1x128xi32, #tpu.memory_space<hbm>> -> memref<128xi32, #tpu.memory_space<hbm>>
        %dma_start3A_336 = tpu.memref_slice %arg2[%select_n3A_315, %mul3A_333] : memref<50x16384xi32, #tpu.memory_space<hbm>> -> memref<1x128xi32, #tpu.memory_space<hbm>>
        %dma_start3A_337 = tpu.memref_squeeze %dma_start3A_336 : memref<1x128xi32, #tpu.memory_space<hbm>> -> memref<128xi32, #tpu.memory_space<hbm>>
        tpu.enqueue_dma source(%dma_start3A_337 : memref<128xi32, #tpu.memory_space<hbm>>) target(%arg5 : memref<128xi32, #tpu.memory_space<vmem>>) target_semaphore(%arg11 : memref<!tpu.dma_semaphore, #tpu.memory_space<semaphore_mem>>)
      } else {
      }
      %add3A_150 = arith.constant 1 : i32
      %add3A_151 = arith.addi %add3A_138, %add3A_150 : i32
      %lt3A_152 = arith.constant 200 : i32
      %lt3A_153 = arith.cmpi slt, %add3A_151, %lt3A_152 : i32
      %convert_element_type3A_154 = arith.extui %lt3A_153 : i1 to i32
      %cond3A_155 = arith.constant 0 : i32
      %cond3A_156 = arith.cmpi ne, %convert_element_type3A_154, %cond3A_155 : i32
      scf.if %cond3A_156 {
        %dma_wait3A_289 = arith.constant 0 : i32
        %dma_wait3A_290 = arith.constant 0 : i32
        %dma_wait3A_291 = tpu.memref_slice %arg2[%dma_wait3A_289, %dma_wait3A_290] : memref<50x16384xi32, #tpu.memory_space<hbm>> -> memref<1x128xi32, #tpu.memory_space<hbm>>
        %dma_wait3A_292 = tpu.memref_squeeze %dma_wait3A_291 : memref<1x128xi32, #tpu.memory_space<hbm>> -> memref<128xi32, #tpu.memory_space<hbm>>
        %dma_wait3A_293 = arith.constant 0 : i32
        %dma_wait3A_294 = tpu.memref_slice %arg2[%dma_wait3A_289, %dma_wait3A_293] : memref<50x16384xi32, #tpu.memory_space<hbm>> -> memref<1x128xi32, #tpu.memory_space<hbm>>
        %dma_wait3A_295 = tpu.memref_squeeze %dma_wait3A_294 : memref<1x128xi32, #tpu.memory_space<hbm>> -> memref<128xi32, #tpu.memory_space<hbm>>
        tpu.wait_dma2 semaphore(%arg11 : memref<!tpu.dma_semaphore, #tpu.memory_space<semaphore_mem>>) src(%dma_wait3A_295 : memref<128xi32, #tpu.memory_space<hbm>>) dst(%arg6 : memref<128xi32, #tpu.memory_space<vmem>>)
        %dma_start3A_296 = arith.constant 0 : i32
        %dma_start3A_297 = arith.constant 0 : i32
        %dma_start3A_298 = tpu.memref_slice %arg8[%dma_start3A_296, %dma_start3A_297] : memref<128x128xf32, #tpu.memory_space<vmem>> -> memref<128x128xf32, #tpu.memory_space<vmem>>
        %dma_start3A_299 = arith.constant 0 : i32
        %dma_start3A_300 = tpu.memref_slice %arg6[%dma_start3A_299] : memref<128xi32, #tpu.memory_space<vmem>> -> memref<128xi32, #tpu.memory_space<vmem>>
        %dma_start3A_301 = arith.constant 0 : i32
        %dma_start3A_302 = arith.constant 0 : i32
        %dma_start3A_303 = tpu.memref_slice %arg3[%dma_start3A_301, %dma_start3A_302] : memref<1000000x128xf32, #tpu.memory_space<hbm>> -> memref<1000000x128xf32, #tpu.memory_space<hbm>>
        tpu.enqueue_indirect_dma source(%dma_start3A_303 : memref<1000000x128xf32, #tpu.memory_space<hbm>>) target(%dma_start3A_298 : memref<128x128xf32, #tpu.memory_space<vmem>>) offsets(%dma_start3A_300 : memref<128xi32, #tpu.memory_space<vmem>>) semaphore(%arg12 : memref<!tpu.dma_semaphore, #tpu.memory_space<semaphore_mem>>)
      } else {
      }
      %ge3A = arith.constant 2 : i32
      %ge3A_157 = arith.cmpi sge, %add3A_138, %ge3A : i32
      %convert_element_type3A_158 = arith.extui %ge3A_157 : i1 to i32
      %cond3A_159 = arith.constant 0 : i32
      %cond3A_160 = arith.cmpi ne, %convert_element_type3A_158, %cond3A_159 : i32
      scf.if %cond3A_160 {
        %dma_wait3A_289 = arith.constant 0 : i32
        %dma_wait3A_290 = arith.constant 0 : i32
        %dma_wait3A_291 = tpu.memref_slice %arg4[%dma_wait3A_289, %dma_wait3A_290] : memref<3200x16384xf32, #tpu.memory_space<hbm>> -> memref<64x128xf32, #tpu.memory_space<hbm>>
        %dma_wait3A_292 = arith.constant 0 : i32
        %dma_wait3A_293 = arith.constant 0 : i32
        %dma_wait3A_294 = tpu.memref_slice %arg4[%dma_wait3A_292, %dma_wait3A_293] : memref<3200x16384xf32, #tpu.memory_space<hbm>> -> memref<64x128xf32, #tpu.memory_space<hbm>>
        tpu.wait_dma2 semaphore(%arg13 : memref<!tpu.dma_semaphore, #tpu.memory_space<semaphore_mem>>) src(%dma_wait3A_294 : memref<64x128xf32, #tpu.memory_space<hbm>>) dst(%arg9 : memref<64x128xf32, #tpu.memory_space<vmem>>)
      } else {
      }
      %parallel_loop3A = arith.constant 0 : i32
      %parallel_loop3A_161 = arith.constant 128 : i32
      %parallel_loop3A_162 = arith.constant 1 : i32
      scf.for %parallel_loop3A_289 = %parallel_loop3A to %parallel_loop3A_161 step %parallel_loop3A_162  : i32 {
        %parallel_loop3A_290 = vector.broadcast %parallel_loop3A_289 : i32 to vector<16xi32>
        %parallel_loop3A_291 = arith.index_cast %parallel_loop3A_289 : i32 to index
        %parallel_loop3A_292 = arith.constant 0 : index
        %parallel_loop3A_293 = tpu.vector_load %arg7[%parallel_loop3A_291, %parallel_loop3A_292] {strides = array<i32>} : memref<128x128xf32, #tpu.memory_space<vmem>>, vector<16xf32>,
        %parallel_loop3A_294 = arith.constant 8.000000e+00 : f32
        %parallel_loop3A_295 = vector.broadcast %parallel_loop3A_294 : f32 to vector<16xf32>
        %parallel_loop3A_296 = arith.mulf %parallel_loop3A_293, %parallel_loop3A_295 : vector<16xf32>
        tpu.vector_store_idx %arg9[%add3A_104, %parallel_loop3A_290], %parallel_loop3A_296 : memref<64x128xf32, #tpu.memory_space<vmem>>[vector<16xi32>, vector<16xi32>], vector<16xf32>,
        %parallel_loop3A_297 = arith.index_cast %parallel_loop3A_289 : i32 to index
        %parallel_loop3A_298 = arith.constant 16 : index
        %parallel_loop3A_299 = tpu.vector_load %arg7[%parallel_loop3A_297, %parallel_loop3A_298] {strides = array<i32>} : memref<128x128xf32, #tpu.memory_space<vmem>>, vector<16xf32>,
        %parallel_loop3A_300 = arith.constant 8.000000e+00 : f32
        %parallel_loop3A_301 = vector.broadcast %parallel_loop3A_300 : f32 to vector<16xf32>
        %parallel_loop3A_302 = arith.mulf %parallel_loop3A_299, %parallel_loop3A_301 : vector<16xf32>
        tpu.vector_store_idx %arg9[%add3A_108, %parallel_loop3A_290], %parallel_loop3A_302 : memref<64x128xf32, #tpu.memory_space<vmem>>[vector<16xi32>, vector<16xi32>], vector<16xf32>,
        %parallel_loop3A_303 = arith.index_cast %parallel_loop3A_289 : i32 to index
        %parallel_loop3A_304 = arith.constant 32 : index
        %parallel_loop3A_305 = tpu.vector_load %arg7[%parallel_loop3A_303, %parallel_loop3A_304] {strides = array<i32>} : memref<128x128xf32, #tpu.memory_space<vmem>>, vector<16xf32>,
        %parallel_loop3A_306 = arith.constant 8.000000e+00 : f32
        %parallel_loop3A_307 = vector.broadcast %parallel_loop3A_306 : f32 to vector<16xf32>
        %parallel_loop3A_308 = arith.mulf %parallel_loop3A_305, %parallel_loop3A_307 : vector<16xf32>
        tpu.vector_store_idx %arg9[%add3A_112, %parallel_loop3A_290], %parallel_loop3A_308 : memref<64x128xf32, #tpu.memory_space<vmem>>[vector<16xi32>, vector<16xi32>], vector<16xf32>,
        %parallel_loop3A_309 = arith.index_cast %parallel_loop3A_289 : i32 to index
        %parallel_loop3A_310 = arith.constant 48 : index
        %parallel_loop3A_311 = tpu.vector_load %arg7[%parallel_loop3A_309, %parallel_loop3A_310] {strides = array<i32>} : memref<128x128xf32, #tpu.memory_space<vmem>>, vector<16xf32>,
        %parallel_loop3A_312 = arith.constant 8.000000e+00 : f32
        %parallel_loop3A_313 = vector.broadcast %parallel_loop3A_312 : f32 to vector<16xf32>
        %parallel_loop3A_314 = arith.mulf %parallel_loop3A_311, %parallel_loop3A_313 : vector<16xf32>
        tpu.vector_store_idx %arg9[%add3A_116, %parallel_loop3A_290], %parallel_loop3A_314 : memref<64x128xf32, #tpu.memory_space<vmem>>[vector<16xi32>, vector<16xi32>], vector<16xf32>,
      } {sc.loop_unroll_factor = 8 : i64, sc.parallel_access}
      %add3A_163 = arith.addi %mul3A_2, %add3A_138 : i32
      %jit3A_164 = arith.constant 128 : i32
      %div3A_165 = arith.divsi %add3A_163, %jit3A_164 : i32
      %sign3A_166 = arith.constant 0 : i32
      %sign3A_167 = arith.cmpi sgt, %add3A_163, %sign3A_166 : i32
      %sign3A_168 = arith.extui %sign3A_167 : i1 to i32
      %sign3A_169 = arith.constant 0 : i32
      %sign3A_170 = arith.cmpi slt, %add3A_163, %sign3A_169 : i32
      %sign3A_171 = arith.extui %sign3A_170 : i1 to i32
      %sign3A_172 = arith.subi %sign3A_168, %sign3A_171 : i32
      %sign3A_173 = arith.constant 0 : i32
      %sign3A_174 = arith.cmpi sgt, %jit3A_164, %sign3A_173 : i32
      %sign3A_175 = arith.extui %sign3A_174 : i1 to i32
      %sign3A_176 = arith.constant 0 : i32
      %sign3A_177 = arith.cmpi slt, %jit3A_164, %sign3A_176 : i32
      %sign3A_178 = arith.extui %sign3A_177 : i1 to i32
      %sign3A_179 = arith.subi %sign3A_175, %sign3A_178 : i32
      %ne3A_180 = arith.cmpi ne, %sign3A_172, %sign3A_179 : i32
      %rem3A_181 = arith.remsi %add3A_163, %jit3A_164 : i32
      %ne3A_182 = arith.constant 0 : i32
      %ne3A_183 = arith.cmpi ne, %rem3A_181, %ne3A_182 : i32
      %and3A_184 = arith.andi %ne3A_180, %ne3A_183 : i1
      %sub3A_185 = arith.constant 1 : i32
      %sub3A_186 = arith.subi %div3A_165, %sub3A_185 : i32
      %select_n3A_187 = arith.select %and3A_184, %sub3A_186, %div3A_165 : i32
      %jit3A_188 = arith.constant 128 : i32
      %eq3A_189 = arith.constant 0 : i32
      %eq3A_190 = arith.cmpi eq, %jit3A_188, %eq3A_189 : i32
      %jit3A_191 = arith.constant 1 : i32
      %select_n3A_192 = arith.select %eq3A_190, %jit3A_191, %jit3A_188 : i32
      %rem3A_193 = arith.remsi %add3A_163, %select_n3A_192 : i32
      %ne3A_194 = arith.constant 0 : i32
      %ne3A_195 = arith.cmpi ne, %rem3A_193, %ne3A_194 : i32
      %lt3A_196 = arith.constant 0 : i32
      %lt3A_197 = arith.cmpi slt, %rem3A_193, %lt3A_196 : i32
      %lt3A_198 = arith.constant 0 : i32
      %lt3A_199 = arith.cmpi slt, %select_n3A_192, %lt3A_198 : i32
      %ne3A_200 = arith.xori %lt3A_197, %lt3A_199 : i1
      %and3A_201 = arith.andi %ne3A_200, %ne3A_195 : i1
      %add3A_202 = arith.addi %rem3A_193, %select_n3A_192 : i32
      %select_n3A_203 = arith.select %and3A_201, %add3A_202, %rem3A_193 : i32
      %mul3A_204 = arith.constant 128 : i32
      %mul3A_205 = arith.muli %select_n3A_203, %mul3A_204 : i32
      %mul3A_206 = arith.constant 64 : i32
      %mul3A_207 = arith.muli %select_n3A_187, %mul3A_206 : i32
      %dma_start3A_208 = tpu.memref_slice %arg4[%mul3A_207, %mul3A_205] : memref<3200x16384xf32, #tpu.memory_space<hbm>> -> memref<64x128xf32, #tpu.memory_space<hbm>>
      %dma_start3A_209 = tpu.memref_slice %arg4[%mul3A_207, %mul3A_205] : memref<3200x16384xf32, #tpu.memory_space<hbm>> -> memref<64x128xf32, #tpu.memory_space<hbm>>
      tpu.enqueue_dma source(%arg9 : memref<64x128xf32, #tpu.memory_space<vmem>>) target(%dma_start3A_209 : memref<64x128xf32, #tpu.memory_space<hbm>>) target_semaphore(%arg13 : memref<!tpu.dma_semaphore, #tpu.memory_space<semaphore_mem>>)
      %mul3A_210 = arith.constant 2 : i32
      %mul3A_211 = arith.muli %scan3A_134, %mul3A_210 : i32
      %add3A_212 = arith.constant 1 : i32
      %add3A_213 = arith.addi %mul3A_211, %add3A_212 : i32
      %dma_wait3A_214 = arith.constant 0 : i32
      %dma_wait3A_215 = arith.constant 0 : i32
      %dma_wait3A_216 = tpu.memref_slice %arg3[%dma_wait3A_214, %dma_wait3A_215] : memref<1000000x128xf32, #tpu.memory_space<hbm>> -> memref<128x128xf32, #tpu.memory_space<hbm>>
      %dma_wait3A_217 = arith.constant 0 : i32
      %dma_wait3A_218 = arith.constant 0 : i32
      %dma_wait3A_219 = tpu.memref_slice %arg3[%dma_wait3A_217, %dma_wait3A_218] : memref<1000000x128xf32, #tpu.memory_space<hbm>> -> memref<128x128xf32, #tpu.memory_space<hbm>>
      tpu.wait_dma2 semaphore(%arg12 : memref<!tpu.dma_semaphore, #tpu.memory_space<semaphore_mem>>) src(%dma_wait3A_219 : memref<128x128xf32, #tpu.memory_space<hbm>>) dst(%arg8 : memref<128x128xf32, #tpu.memory_space<vmem>>)
      %add3A_220 = arith.constant 2 : i32
      %add3A_221 = arith.addi %add3A_213, %add3A_220 : i32
      %lt3A_222 = arith.constant 200 : i32
      %lt3A_223 = arith.cmpi slt, %add3A_221, %lt3A_222 : i32
      %convert_element_type3A_224 = arith.extui %lt3A_223 : i1 to i32
      %cond3A_225 = arith.constant 0 : i32
      %cond3A_226 = arith.cmpi ne, %convert_element_type3A_224, %cond3A_225 : i32
      scf.if %cond3A_226 {
        %add3A_289 = arith.constant 2 : i32
        %add3A_290 = arith.addi %add3A_213, %add3A_289 : i32
        %add3A_291 = arith.addi %mul3A_2, %add3A_290 : i32
        %jit3A_292 = arith.constant 128 : i32
        %div3A_293 = arith.divsi %add3A_291, %jit3A_292 : i32
        %sign3A_294 = arith.constant 0 : i32
        %sign3A_295 = arith.cmpi sgt, %add3A_291, %sign3A_294 : i32
        %sign3A_296 = arith.extui %sign3A_295 : i1 to i32
        %sign3A_297 = arith.constant 0 : i32
        %sign3A_298 = arith.cmpi slt, %add3A_291, %sign3A_297 : i32
        %sign3A_299 = arith.extui %sign3A_298 : i1 to i32
        %sign3A_300 = arith.subi %sign3A_296, %sign3A_299 : i32
        %sign3A_301 = arith.constant 0 : i32
        %sign3A_302 = arith.cmpi sgt, %jit3A_292, %sign3A_301 : i32
        %sign3A_303 = arith.extui %sign3A_302 : i1 to i32
        %sign3A_304 = arith.constant 0 : i32
        %sign3A_305 = arith.cmpi slt, %jit3A_292, %sign3A_304 : i32
        %sign3A_306 = arith.extui %sign3A_305 : i1 to i32
        %sign3A_307 = arith.subi %sign3A_303, %sign3A_306 : i32
        %ne3A_308 = arith.cmpi ne, %sign3A_300, %sign3A_307 : i32
        %rem3A_309 = arith.remsi %add3A_291, %jit3A_292 : i32
        %ne3A_310 = arith.constant 0 : i32
        %ne3A_311 = arith.cmpi ne, %rem3A_309, %ne3A_310 : i32
        %and3A_312 = arith.andi %ne3A_308, %ne3A_311 : i1
        %sub3A_313 = arith.constant 1 : i32
        %sub3A_314 = arith.subi %div3A_293, %sub3A_313 : i32
        %select_n3A_315 = arith.select %and3A_312, %sub3A_314, %div3A_293 : i32
        %jit3A_316 = arith.constant 128 : i32
        %eq3A_317 = arith.constant 0 : i32
        %eq3A_318 = arith.cmpi eq, %jit3A_316, %eq3A_317 : i32
        %jit3A_319 = arith.constant 1 : i32
        %select_n3A_320 = arith.select %eq3A_318, %jit3A_319, %jit3A_316 : i32
        %rem3A_321 = arith.remsi %add3A_291, %select_n3A_320 : i32
        %ne3A_322 = arith.constant 0 : i32
        %ne3A_323 = arith.cmpi ne, %rem3A_321, %ne3A_322 : i32
        %lt3A_324 = arith.constant 0 : i32
        %lt3A_325 = arith.cmpi slt, %rem3A_321, %lt3A_324 : i32
        %lt3A_326 = arith.constant 0 : i32
        %lt3A_327 = arith.cmpi slt, %select_n3A_320, %lt3A_326 : i32
        %ne3A_328 = arith.xori %lt3A_325, %lt3A_327 : i1
        %and3A_329 = arith.andi %ne3A_328, %ne3A_323 : i1
        %add3A_330 = arith.addi %rem3A_321, %select_n3A_320 : i32
        %select_n3A_331 = arith.select %and3A_329, %add3A_330, %rem3A_321 : i32
        %mul3A_332 = arith.constant 128 : i32
        %mul3A_333 = arith.muli %select_n3A_331, %mul3A_332 : i32
        %dma_start3A_334 = tpu.memref_slice %arg2[%select_n3A_315, %mul3A_333] : memref<50x16384xi32, #tpu.memory_space<hbm>> -> memref<1x128xi32, #tpu.memory_space<hbm>>
        %dma_start3A_335 = tpu.memref_squeeze %dma_start3A_334 : memref<1x128xi32, #tpu.memory_space<hbm>> -> memref<128xi32, #tpu.memory_space<hbm>>
        %dma_start3A_336 = tpu.memref_slice %arg2[%select_n3A_315, %mul3A_333] : memref<50x16384xi32, #tpu.memory_space<hbm>> -> memref<1x128xi32, #tpu.memory_space<hbm>>
        %dma_start3A_337 = tpu.memref_squeeze %dma_start3A_336 : memref<1x128xi32, #tpu.memory_space<hbm>> -> memref<128xi32, #tpu.memory_space<hbm>>
        tpu.enqueue_dma source(%dma_start3A_337 : memref<128xi32, #tpu.memory_space<hbm>>) target(%arg6 : memref<128xi32, #tpu.memory_space<vmem>>) target_semaphore(%arg11 : memref<!tpu.dma_semaphore, #tpu.memory_space<semaphore_mem>>)
      } else {
      }
      %add3A_227 = arith.constant 1 : i32
      %add3A_228 = arith.addi %add3A_213, %add3A_227 : i32
      %lt3A_229 = arith.constant 200 : i32
      %lt3A_230 = arith.cmpi slt, %add3A_228, %lt3A_229 : i32
      %convert_element_type3A_231 = arith.extui %lt3A_230 : i1 to i32
      %cond3A_232 = arith.constant 0 : i32
      %cond3A_233 = arith.cmpi ne, %convert_element_type3A_231, %cond3A_232 : i32
      scf.if %cond3A_233 {
        %dma_wait3A_289 = arith.constant 0 : i32
        %dma_wait3A_290 = arith.constant 0 : i32
        %dma_wait3A_291 = tpu.memref_slice %arg2[%dma_wait3A_289, %dma_wait3A_290] : memref<50x16384xi32, #tpu.memory_space<hbm>> -> memref<1x128xi32, #tpu.memory_space<hbm>>
        %dma_wait3A_292 = tpu.memref_squeeze %dma_wait3A_291 : memref<1x128xi32, #tpu.memory_space<hbm>> -> memref<128xi32, #tpu.memory_space<hbm>>
        %dma_wait3A_293 = arith.constant 0 : i32
        %dma_wait3A_294 = tpu.memref_slice %arg2[%dma_wait3A_289, %dma_wait3A_293] : memref<50x16384xi32, #tpu.memory_space<hbm>> -> memref<1x128xi32, #tpu.memory_space<hbm>>
        %dma_wait3A_295 = tpu.memref_squeeze %dma_wait3A_294 : memref<1x128xi32, #tpu.memory_space<hbm>> -> memref<128xi32, #tpu.memory_space<hbm>>
        tpu.wait_dma2 semaphore(%arg11 : memref<!tpu.dma_semaphore, #tpu.memory_space<semaphore_mem>>) src(%dma_wait3A_295 : memref<128xi32, #tpu.memory_space<hbm>>) dst(%arg5 : memref<128xi32, #tpu.memory_space<vmem>>)
        %dma_start3A_296 = arith.constant 0 : i32
        %dma_start3A_297 = arith.constant 0 : i32
        %dma_start3A_298 = tpu.memref_slice %arg7[%dma_start3A_296, %dma_start3A_297] : memref<128x128xf32, #tpu.memory_space<vmem>> -> memref<128x128xf32, #tpu.memory_space<vmem>>
        %dma_start3A_299 = arith.constant 0 : i32
        %dma_start3A_300 = tpu.memref_slice %arg5[%dma_start3A_299] : memref<128xi32, #tpu.memory_space<vmem>> -> memref<128xi32, #tpu.memory_space<vmem>>
        %dma_start3A_301 = arith.constant 0 : i32
        %dma_start3A_302 = arith.constant 0 : i32
        %dma_start3A_303 = tpu.memref_slice %arg3[%dma_start3A_301, %dma_start3A_302] : memref<1000000x128xf32, #tpu.memory_space<hbm>> -> memref<1000000x128xf32, #tpu.memory_space<hbm>>
        tpu.enqueue_indirect_dma source(%dma_start3A_303 : memref<1000000x128xf32, #tpu.memory_space<hbm>>) target(%dma_start3A_298 : memref<128x128xf32, #tpu.memory_space<vmem>>) offsets(%dma_start3A_300 : memref<128xi32, #tpu.memory_space<vmem>>) semaphore(%arg12 : memref<!tpu.dma_semaphore, #tpu.memory_space<semaphore_mem>>)
      } else {
      }
      %ge3A_234 = arith.constant 2 : i32
      %ge3A_235 = arith.cmpi sge, %add3A_213, %ge3A_234 : i32
      %convert_element_type3A_236 = arith.extui %ge3A_235 : i1 to i32
      %cond3A_237 = arith.constant 0 : i32
      %cond3A_238 = arith.cmpi ne, %convert_element_type3A_236, %cond3A_237 : i32
      scf.if %cond3A_238 {
        %dma_wait3A_289 = arith.constant 0 : i32
        %dma_wait3A_290 = arith.constant 0 : i32
        %dma_wait3A_291 = tpu.memref_slice %arg4[%dma_wait3A_289, %dma_wait3A_290] : memref<3200x16384xf32, #tpu.memory_space<hbm>> -> memref<64x128xf32, #tpu.memory_space<hbm>>
        %dma_wait3A_292 = arith.constant 0 : i32
        %dma_wait3A_293 = arith.constant 0 : i32
        %dma_wait3A_294 = tpu.memref_slice %arg4[%dma_wait3A_292, %dma_wait3A_293] : memref<3200x16384xf32, #tpu.memory_space<hbm>> -> memref<64x128xf32, #tpu.memory_space<hbm>>
        tpu.wait_dma2 semaphore(%arg13 : memref<!tpu.dma_semaphore, #tpu.memory_space<semaphore_mem>>) src(%dma_wait3A_294 : memref<64x128xf32, #tpu.memory_space<hbm>>) dst(%arg10 : memref<64x128xf32, #tpu.memory_space<vmem>>)
      } else {
      }
      %parallel_loop3A_239 = arith.constant 0 : i32
      %parallel_loop3A_240 = arith.constant 128 : i32
      %parallel_loop3A_241 = arith.constant 1 : i32
      scf.for %parallel_loop3A_289 = %parallel_loop3A_239 to %parallel_loop3A_240 step %parallel_loop3A_241  : i32 {
        %parallel_loop3A_290 = vector.broadcast %parallel_loop3A_289 : i32 to vector<16xi32>
        %parallel_loop3A_291 = arith.index_cast %parallel_loop3A_289 : i32 to index
        %parallel_loop3A_292 = arith.constant 0 : index
        %parallel_loop3A_293 = tpu.vector_load %arg8[%parallel_loop3A_291, %parallel_loop3A_292] {strides = array<i32>} : memref<128x128xf32, #tpu.memory_space<vmem>>, vector<16xf32>,
        %parallel_loop3A_294 = arith.constant 8.000000e+00 : f32
        %parallel_loop3A_295 = vector.broadcast %parallel_loop3A_294 : f32 to vector<16xf32>
        %parallel_loop3A_296 = arith.mulf %parallel_loop3A_293, %parallel_loop3A_295 : vector<16xf32>
        tpu.vector_store_idx %arg10[%add3A_104, %parallel_loop3A_290], %parallel_loop3A_296 : memref<64x128xf32, #tpu.memory_space<vmem>>[vector<16xi32>, vector<16xi32>], vector<16xf32>,
        %parallel_loop3A_297 = arith.index_cast %parallel_loop3A_289 : i32 to index
        %parallel_loop3A_298 = arith.constant 16 : index
        %parallel_loop3A_299 = tpu.vector_load %arg8[%parallel_loop3A_297, %parallel_loop3A_298] {strides = array<i32>} : memref<128x128xf32, #tpu.memory_space<vmem>>, vector<16xf32>,
        %parallel_loop3A_300 = arith.constant 8.000000e+00 : f32
        %parallel_loop3A_301 = vector.broadcast %parallel_loop3A_300 : f32 to vector<16xf32>
        %parallel_loop3A_302 = arith.mulf %parallel_loop3A_299, %parallel_loop3A_301 : vector<16xf32>
        tpu.vector_store_idx %arg10[%add3A_108, %parallel_loop3A_290], %parallel_loop3A_302 : memref<64x128xf32, #tpu.memory_space<vmem>>[vector<16xi32>, vector<16xi32>], vector<16xf32>,
        %parallel_loop3A_303 = arith.index_cast %parallel_loop3A_289 : i32 to index
        %parallel_loop3A_304 = arith.constant 32 : index
        %parallel_loop3A_305 = tpu.vector_load %arg8[%parallel_loop3A_303, %parallel_loop3A_304] {strides = array<i32>} : memref<128x128xf32, #tpu.memory_space<vmem>>, vector<16xf32>,
        %parallel_loop3A_306 = arith.constant 8.000000e+00 : f32
        %parallel_loop3A_307 = vector.broadcast %parallel_loop3A_306 : f32 to vector<16xf32>
        %parallel_loop3A_308 = arith.mulf %parallel_loop3A_305, %parallel_loop3A_307 : vector<16xf32>
        tpu.vector_store_idx %arg10[%add3A_112, %parallel_loop3A_290], %parallel_loop3A_308 : memref<64x128xf32, #tpu.memory_space<vmem>>[vector<16xi32>, vector<16xi32>], vector<16xf32>,
        %parallel_loop3A_309 = arith.index_cast %parallel_loop3A_289 : i32 to index
        %parallel_loop3A_310 = arith.constant 48 : index
        %parallel_loop3A_311 = tpu.vector_load %arg8[%parallel_loop3A_309, %parallel_loop3A_310] {strides = array<i32>} : memref<128x128xf32, #tpu.memory_space<vmem>>, vector<16xf32>,
        %parallel_loop3A_312 = arith.constant 8.000000e+00 : f32
        %parallel_loop3A_313 = vector.broadcast %parallel_loop3A_312 : f32 to vector<16xf32>
        %parallel_loop3A_314 = arith.mulf %parallel_loop3A_311, %parallel_loop3A_313 : vector<16xf32>
        tpu.vector_store_idx %arg10[%add3A_116, %parallel_loop3A_290], %parallel_loop3A_314 : memref<64x128xf32, #tpu.memory_space<vmem>>[vector<16xi32>, vector<16xi32>], vector<16xf32>,
      } {sc.loop_unroll_factor = 8 : i64, sc.parallel_access}
      %add3A_242 = arith.addi %mul3A_2, %add3A_213 : i32
      %jit3A_243 = arith.constant 128 : i32
      %div3A_244 = arith.divsi %add3A_242, %jit3A_243 : i32
      %sign3A_245 = arith.constant 0 : i32
      %sign3A_246 = arith.cmpi sgt, %add3A_242, %sign3A_245 : i32
      %sign3A_247 = arith.extui %sign3A_246 : i1 to i32
      %sign3A_248 = arith.constant 0 : i32
      %sign3A_249 = arith.cmpi slt, %add3A_242, %sign3A_248 : i32
      %sign3A_250 = arith.extui %sign3A_249 : i1 to i32
      %sign3A_251 = arith.subi %sign3A_247, %sign3A_250 : i32
      %sign3A_252 = arith.constant 0 : i32
      %sign3A_253 = arith.cmpi sgt, %jit3A_243, %sign3A_252 : i32
      %sign3A_254 = arith.extui %sign3A_253 : i1 to i32
      %sign3A_255 = arith.constant 0 : i32
      %sign3A_256 = arith.cmpi slt, %jit3A_243, %sign3A_255 : i32
      %sign3A_257 = arith.extui %sign3A_256 : i1 to i32
      %sign3A_258 = arith.subi %sign3A_254, %sign3A_257 : i32
      %ne3A_259 = arith.cmpi ne, %sign3A_251, %sign3A_258 : i32
      %rem3A_260 = arith.remsi %add3A_242, %jit3A_243 : i32
      %ne3A_261 = arith.constant 0 : i32
      %ne3A_262 = arith.cmpi ne, %rem3A_260, %ne3A_261 : i32
      %and3A_263 = arith.andi %ne3A_259, %ne3A_262 : i1
      %sub3A_264 = arith.constant 1 : i32
      %sub3A_265 = arith.subi %div3A_244, %sub3A_264 : i32
      %select_n3A_266 = arith.select %and3A_263, %sub3A_265, %div3A_244 : i32
      %jit3A_267 = arith.constant 128 : i32
      %eq3A_268 = arith.constant 0 : i32
      %eq3A_269 = arith.cmpi eq, %jit3A_267, %eq3A_268 : i32
      %jit3A_270 = arith.constant 1 : i32
      %select_n3A_271 = arith.select %eq3A_269, %jit3A_270, %jit3A_267 : i32
      %rem3A_272 = arith.remsi %add3A_242, %select_n3A_271 : i32
      %ne3A_273 = arith.constant 0 : i32
      %ne3A_274 = arith.cmpi ne, %rem3A_272, %ne3A_273 : i32
      %lt3A_275 = arith.constant 0 : i32
      %lt3A_276 = arith.cmpi slt, %rem3A_272, %lt3A_275 : i32
      %lt3A_277 = arith.constant 0 : i32
      %lt3A_278 = arith.cmpi slt, %select_n3A_271, %lt3A_277 : i32
      %ne3A_279 = arith.xori %lt3A_276, %lt3A_278 : i1
      %and3A_280 = arith.andi %ne3A_279, %ne3A_274 : i1
      %add3A_281 = arith.addi %rem3A_272, %select_n3A_271 : i32
      %select_n3A_282 = arith.select %and3A_280, %add3A_281, %rem3A_272 : i32
      %mul3A_283 = arith.constant 128 : i32
      %mul3A_284 = arith.muli %select_n3A_282, %mul3A_283 : i32
      %mul3A_285 = arith.constant 64 : i32
      %mul3A_286 = arith.muli %select_n3A_266, %mul3A_285 : i32
      %dma_start3A_287 = tpu.memref_slice %arg4[%mul3A_286, %mul3A_284] : memref<3200x16384xf32, #tpu.memory_space<hbm>> -> memref<64x128xf32, #tpu.memory_space<hbm>>
      %dma_start3A_288 = tpu.memref_slice %arg4[%mul3A_286, %mul3A_284] : memref<3200x16384xf32, #tpu.memory_space<hbm>> -> memref<64x128xf32, #tpu.memory_space<hbm>>
      tpu.enqueue_dma source(%arg10 : memref<64x128xf32, #tpu.memory_space<vmem>>) target(%dma_start3A_288 : memref<64x128xf32, #tpu.memory_space<hbm>>) target_semaphore(%arg13 : memref<!tpu.dma_semaphore, #tpu.memory_space<semaphore_mem>>)
    }
    %scan3A_121 = arith.constant 100 : i32
    %dma_wait3A_122 = arith.constant 0 : i32
    %dma_wait3A_123 = arith.constant 0 : i32
    %dma_wait3A_124 = tpu.memref_slice %arg4[%dma_wait3A_122, %dma_wait3A_123] : memref<3200x16384xf32, #tpu.memory_space<hbm>> -> memref<64x128xf32, #tpu.memory_space<hbm>>
    %dma_wait3A_125 = arith.constant 0 : i32
    %dma_wait3A_126 = arith.constant 0 : i32
    %dma_wait3A_127 = tpu.memref_slice %arg4[%dma_wait3A_125, %dma_wait3A_126] : memref<3200x16384xf32, #tpu.memory_space<hbm>> -> memref<64x128xf32, #tpu.memory_space<hbm>>
    tpu.wait_dma2 semaphore(%arg13 : memref<!tpu.dma_semaphore, #tpu.memory_space<semaphore_mem>>) src(%dma_wait3A_127 : memref<64x128xf32, #tpu.memory_space<hbm>>) dst(%arg9 : memref<64x128xf32, #tpu.memory_space<vmem>>)
    %dma_wait3A_128 = arith.constant 0 : i32
    %dma_wait3A_129 = arith.constant 0 : i32
    %dma_wait3A_130 = tpu.memref_slice %arg4[%dma_wait3A_128, %dma_wait3A_129] : memref<3200x16384xf32, #tpu.memory_space<hbm>> -> memref<64x128xf32, #tpu.memory_space<hbm>>
    %dma_wait3A_131 = arith.constant 0 : i32
    %dma_wait3A_132 = arith.constant 0 : i32
    %dma_wait3A_133 = tpu.memref_slice %arg4[%dma_wait3A_131, %dma_wait3A_132] : memref<3200x16384xf32, #tpu.memory_space<hbm>> -> memref<64x128xf32, #tpu.memory_space<hbm>>
    tpu.wait_dma2 semaphore(%arg13 : memref<!tpu.dma_semaphore, #tpu.memory_space<semaphore_mem>>) src(%dma_wait3A_133 : memref<64x128xf32, #tpu.memory_space<hbm>>) dst(%arg10 : memref<64x128xf32, #tpu.memory_space<vmem>>)
    return
  }
}

module attributes {stable_mosaic.version = 14 : i64} {
  func.func @body(%arg0: i32, %arg1: memref<64x4096xf32, #tpu.memory_space<vmem>>, %arg2: memref<4096x128xf32, #tpu.memory_space<vmem>>) attributes {dimension_semantics = [#tpu.dimension_semantics<arbitrary>], iteration_bounds = array<i64: 245>, scalar_prefetch = 0 : i64, scratch_operands = 0 : i64, tpu.core_type = #tpu.core_type<tc>, window_params = [{transform_indices = @transform_0, window_bounds = array<i64: 64, 4096>}, {transform_indices = @transform_1, window_bounds = array<i64: 4096, 128>}]} {
    %get3A = arith.constant 0 : index
    %get3A_0 = arith.constant 0 : index
    %get3A_1 = vector.load %arg1[%get3A, %get3A_0] : memref<64x4096xf32, #tpu.memory_space<vmem>>, vector<64x4096xf32>
    %transpose3A = tpu.transpose %get3A_1, [1, 0] : vector<64x4096xf32> -> vector<4096x64xf32>
    %swap3A = arith.constant 0 : index
    %swap3A_2 = arith.constant 0 : index
    %swap3A_3 = vector.load %arg2[%swap3A, %swap3A_2] : memref<4096x128xf32, #tpu.memory_space<vmem>>, vector<4096x64xf32>
    tpu.vector_store %arg2[%swap3A, %swap3A_2], %transpose3A {strides = array<i32>} : memref<4096x128xf32, #tpu.memory_space<vmem>>, vector<4096x64xf32>,
    return
  }
  func.func @transform_0(%arg0: i32) -> (i32, i32) {
    %c0_i32 = arith.constant 0 : i32
    %c0_i32_0 = arith.constant 0 : i32
    return %c0_i32, %arg0 : i32, i32
  }
  func.func @transform_1(%arg0: i32) -> (i32, i32) {
    %c0_i32 = arith.constant 0 : i32
    %c0_i32_0 = arith.constant 0 : i32
    return %arg0, %c0_i32 : i32, i32
  }
}

</mosaic_0001>

<sc_bundles>
// kernel: kernel.4.cloned.1.call-start
scs
__scs_entry_jumppad:
0x0: {  	(pc) =	sbr.rel $0x88, $3  }
0x1: {  	(tag) =	ssettag $0x0;
	lr =	simm.s32 $0x1  }
0x2: {  	[smem:$0x3F9F] =	sst lr;
	_ =	strace $0xD0000000  }
0x3: {  	_ = 	snop  }
0x4: {  	_ = 	snop  }
0x5: {  	_ = 	snop  }
0x6: {  	_ = 	snop  }
0x7: {  	_ = 	snop  }
__scs_overlays_trampoline_lowered:
0x8: {  	[smem:$0x3FAE] =	sst s0  }
0x9: {  	[smem:$0x3FAF] =	sst s1  }
0xa: {  	[smem:$0x3FB0] =	sst s2  }
0xb: {  	[smem:$0x3FB1] =	sst s3  }
0xc: {  	[smem:$0x3FB2] =	sst s4  }
0xd: {  	[smem:$0x3FB3] =	sst s5  }
0xe: {  	[smem:$0x3FB4] =	sst s6  }
0xf: {  	[smem:$0x3FB5] =	sst s7  }
0x10: {  	[smem:$0x3FB6] =	sst s8  }
0x11: {  	[smem:$0x3FB7] =	sst s9;
	s0 =	simm.s32 @!p0 $0x0  }
0x12: {  	s1 =	sld [smem:$0x3F9D];
	s0 =	simm.s32 @p0 $0x1  }
0x13: {  	[smem:$0x3FB8] =	sst s0;
	s0 =	simm.s32 @!p1 $0x0  }
0x14: {  	s2 =	sld [smem:$0x3F9C];
	s0 =	simm.s32 @p1 $0x1  }
0x15: {  	[smem:$0x3FB9] =	sst s0;
	s0 =	simm.s32 @!p2 $0x0  }
0x16: {  	s3 =	sld [smem:$0x3FDB];
	s0 =	simm.s32 @p2 $0x1  }
0x17: {  	s4 =	simm.s32 $0x1BF5;
	[smem:$0x3FBB] =	sst s0  }
0x18: {  	s0 =	sld [smem:$0x3F9E];
	_ =	swait.ge [sflag:s4], $0x0  }
0x19: {  	s7 =	sld [smem:$0x3F9F]  }
0x1a: {  	s8 =	sadd.s32 $0xFFFFE003, lr  }
0x1b: {  	s9 =	sadd.s32 $0xFFFFFEF7, lr;
	s5 =	simm.s32 $0xFFFFFFFF;
	p2 =	slt.u32 s8, $0xFFFFF086  }
0x1c: {  	p1 =	slt.u32 s9, $0xF7A;
	s5 =	simm.s32 @!p2 $0x0  }
0x1d: {  	s5 =	simm.s32 @p1 $0x1;
	p0 =	seq.s32 s7, s2  }
0x1e: {  	s7 =	smul.u32 @!p0 $0xF7A, s2;
	p2 =	seq.s32 @!p0 s5, $0x0  }
0x1f: {  	s9 =	smul.u32 $0xF7A, s1;
	s8 =	simm.s32 @!p0 $0x1BF5;
	p2 =	por !p2, p0  }
0x20: {  	[sflag:s8] =	ssyncset.s32 @!p0 $0xFFFFF086;
	s6 =	sadd.s32 @!p0 s3, s7;
	s7 =	simm.s32 @!p0 $0x108  }
0x21: {  	s3 =	sadd.s32 s3, s9;
	s6 =	sadd.s32 @!p0 $0x88, s6;
	s7 =	simm.s32 @p2 $0x1082  }
0x22: {  	[simem:s7], [sflag:s8] =	dma.local @!p0 [hbm:s6], $0xF7A  }
0x23: {  	s9 =	sor.u32 $0xD0000000, s2;
	s6 =	simm.s32 $0x108;
	_ =	swait.ge @!p0 [sflag:s8], $0x0  }
0x24: {  	s3 =	sadd.s32 $0x88, s3;
	s6 =	simm.s32 @!p1 $0x1082;
	[sflag:s4] =	ssyncset.s32 $0xFFFFF086  }
0x25: {  	[simem:s6], [sflag:s4] =	dma.local [hbm:s3], $0xF7A  }
0x26: {  	[smem:$0x3F9F] =	sst s1;
	(tag) =	ssettag s2;
	_ =	strace s9  }
0x27: {  	s1 =	sld [smem:$0x3FAF]  }
0x28: {  	s2 =	sld [smem:$0x3FB0]  }
0x29: {  	s4 =	sld [smem:$0x3FB2]  }
0x2a: {  	p0 =	seq.s32 s5, $0x0;
	s5 =	sld [smem:$0x3FB3]  }
0x2b: {  	s6 =	sld [smem:$0x3FB4]  }
0x2c: {  	s7 =	sld [smem:$0x3FB5]  }
0x2d: {  	s3 =	simm.s32 $0x108;
	s8 =	sld [smem:$0x3FB6]  }
0x2e: {  	s3 =	simm.s32 @!p0 $0x1082;
	s9 =	sld [smem:$0x3FB7]  }
0x2f: {  	lr =	sadd.s32 s0, s3;
	s0 =	sld [smem:$0x3FAE]  }
0x30: {  	s3 =	sld [smem:$0x3FB1]  }
0x31: {  	[smem:$0x3FBA] =	sst s10  }
0x32: {  	s10 =	sld [smem:$0x3FB8];
	_ =	sdelay $0x3  }
0x33: {  	p0 =	seq.s32 s10, $0x1;
	s10 =	sld [smem:$0x3FBA];
	_ =	sdelay $0x3  }
0x34: {  	[smem:$0x3FBA] =	sst s10  }
0x35: {  	s10 =	sld [smem:$0x3FB9];
	_ =	sdelay $0x3  }
0x36: {  	p1 =	seq.s32 s10, $0x1;
	s10 =	sld [smem:$0x3FBA];
	_ =	sdelay $0x3  }
0x37: {  	[smem:$0x3FBA] =	sst s10  }
0x38: {  	s10 =	sld [smem:$0x3FBB]  }
0x39: {  	_ = 	snop;
	(pc) =	sbr.ind lr, $3  }
0x3a: {  	_ = 	snop  }
0x3b: {  	_ = 	snop  }
0x3c: {  	p2 =	seq.s32 s10, $0x1;
	s10 =	sld [smem:$0x3FBA]  }
0x3d: {  	_ =	shalt  }
0x3e: {  	_ =	shalt  }
0x3f: {  	_ =	shalt  }
0x40: {  	_ =	shalt  }
0x41: {  	_ =	shalt  }
0x42: {  	_ =	shalt  }
0x43: {  	_ =	shalt  }
0x44: {  	_ =	shalt  }
0x45: {  	_ =	shalt  }
0x46: {  	_ =	shalt  }
0x47: {  	_ =	shalt  }
0x48: {  	_ =	shalt  }
0x49: {  	_ =	shalt  }
0x4a: {  	_ =	shalt  }
0x4b: {  	_ =	shalt  }
0x4c: {  	_ =	shalt  }
0x4d: {  	_ =	shalt  }
0x4e: {  	_ =	shalt  }
0x4f: {  	_ =	shalt  }
0x50: {  	_ =	shalt  }
0x51: {  	_ =	shalt  }
0x52: {  	_ =	shalt  }
0x53: {  	_ =	shalt  }
0x54: {  	_ =	shalt  }
0x55: {  	_ =	shalt  }
0x56: {  	_ =	shalt  }
0x57: {  	_ =	shalt  }
0x58: {  	_ =	shalt  }
0x59: {  	_ =	shalt  }
0x5a: {  	_ =	shalt  }
0x5b: {  	_ =	shalt  }
0x5c: {  	_ =	shalt  }
0x5d: {  	_ =	shalt  }
0x5e: {  	_ =	shalt  }
0x5f: {  	_ =	shalt  }
0x60: {  	_ =	shalt  }
0x61: {  	_ =	shalt  }
0x62: {  	_ =	shalt  }
0x63: {  	_ =	shalt  }
0x64: {  	_ =	shalt  }
0x65: {  	_ =	shalt  }
0x66: {  	_ =	shalt  }
0x67: {  	_ =	shalt  }
0x68: {  	_ =	shalt  }
0x69: {  	_ =	shalt  }
0x6a: {  	_ =	shalt  }
0x6b: {  	_ =	shalt  }
0x6c: {  	_ =	shalt  }
0x6d: {  	_ =	shalt  }
0x6e: {  	_ =	shalt  }
0x6f: {  	_ =	shalt  }
0x70: {  	_ =	shalt  }
0x71: {  	_ =	shalt  }
0x72: {  	_ =	shalt  }
0x73: {  	_ =	shalt  }
0x74: {  	_ =	shalt  }
0x75: {  	_ =	shalt  }
0x76: {  	_ =	shalt  }
0x77: {  	_ =	shalt  }
0x78: {  	_ =	shalt  }
0x79: {  	_ =	shalt  }
0x7a: {  	_ =	shalt  }
0x7b: {  	_ =	shalt  }
0x7c: {  	_ =	shalt  }
0x7d: {  	_ =	shalt  }
0x7e: {  	_ =	shalt  }
0x7f: {  	_ =	shalt  }
0x80: {  	_ =	shalt  }
0x81: {  	_ =	shalt  }
0x82: {  	_ =	shalt  }
0x83: {  	_ =	shalt  }
0x84: {  	_ =	shalt  }
0x85: {  	_ =	shalt  }
0x86: {  	_ =	shalt  }
0x87: {  	_ =	shalt  }
.Lfunc_end0:
.L_simem_size_0:
called_computation_lowered:
.L_overlay_start_0:
0x88: {  	s2 =	sld [smem:$0x3FD9]  }
0x89: {  	s3 =	sld [smem:$0x3FFE];
	_ =	sdelay $0x1  }
0x8a: {  	s1 =	srdreg.scid  }
0x8b: {  	s0 =	sand.u32 $0x1, s1  }
0x8c: {  	s17 =	sshll.u32 s0, $0xA;
	s2 =	sadd.s32 s3, s2  }
0x8d: {  	s2 =	sadd.s32 s2, s17  }
0x8e: {  	[smem:$0x3FC6] =	sst s2  }
0x8f: {  	_ = 	snop  }
0x90: {  	s2 =	sld [smem:$0x3FC9]  }
0x91: {  	s18 =	sld [smem:$0x3FD0];
	(tm) =	ssettm $0x1  }
0x92: {  	s4 =	sld [smem:$0x3FFB];
	_ =	sdelay $0x3  }
0x93: {  	_ =	strace s4  }
0x94: {  	s4 =	sld [smem:$0x3FFC];
	_ =	sdelay $0x3  }
0x95: {  	_ =	strace s4  }
0x96: {  	s4 =	sld [smem:$0x3FFD];
	_ =	sdelay $0x3  }
0x97: {  	_ =	strace s4  }
0x98: {  	_ =	strace $0x8FFFFFFF  }
0x99: {  	s19 =	sld [smem:$0x3FDB];
	_ =	sdelay $0x1  }
0x9a: {  	s5 =	simm.s32 $_scs_section_size  }
0x9b: {  	s6 =	simm.s32 $_size__tile_overlayer_lowered;
	s7 =	simm.s32 $_tile_overlayer_lowered  }
0x9c: {  	s22 =	simm.s32 $0x1BFF;
	s21 =	sshll.u32 s7, $0x1;
	s4 =	sadd.s32 s5, s19  }
0x9d: {  	s8 =	simm.s32 $0x0;
	s20 =	sshll.u32 s6, $0x1;
	s6 =	sadd.s32 s21, s4  }
0x9e: {  	[timem:s8], [sflag:s22] =	dma.local [hbm:s6], s20  }
0x9f: {  	_ =	swait.ge [sflag:s22], s20  }
0xa0: {  	s5 =	ssub.s32 $0x0, s20;
	[sflag:s22] =	ssyncset.done $0x0  }
0xa1: {  	[sflag:s22] =	ssyncadd.s32 s5;
	_ =	sdelay $0x1  }
0xa2: {  	s23 =	simm.s32 $0x1B8B  }
0xa3: {  	_ =	swait.ge [sflag:s23], $0x1  }
0xa4: {  	[sflag:s23] =	ssyncset.done $0x0  }
0xa5: {  	s25 =	simm.s32 $0x1B8E;
	s24 =	sld [smem:$0x3FFE];
	[sflag:s23] =	ssyncadd.s32 $0xFFFFFFFF  }
0xa6: {  	s26 =	simm.s32 $execute0_lowered;
	[smem:$0x3FD2] =	sst s25  }
0xa7: {  	s6 =	sshll.u32 s26, $0x1;
	_ =	strace $0x80000046;
	[dreg:$0x1] =	wrdreg $0xFFFFFFFF  }
0xa8: {  	s28 =	simm.s32 $_size_execute0_lowered;
	s4 =	sadd.s32 s4, s6;
	[dreg:$0x0] =	wrdreg $0x0  }
0xa9: {  	s6 =	sshll.u32 s28, $0x1;
	[dreg:$0x2] =	wrdreg s4  }
0xaa: {  	[dreg:$0x3] =	wrdreg s6  }
0xab: {  	[dreg:$0x4] =	wrdreg $0xC0  }
0xac: {  	_ =	task [dreg:s8], $0x5FFFF  }
0xad: {  	[dreg:$0x1] =	wrdreg $0xFFFFFFFF  }
0xae: {  	[dreg:$0x0] =	wrdreg $0x60  }
0xaf: {  	[dreg:$0x2] =	wrdreg s2  }
0xb0: {  	[dreg:$0x3] =	wrdreg s24  }
0xb1: {  	[dreg:$0x4] =	wrdreg s18  }
0xb2: {  	[dreg:$0x5] =	wrdreg $0x9  }
0xb3: {  	_ =	task.clear_ibuf [dreg:s8], $0x6FFFF;
	_ =	strace $0x90000046  }
0xb4: {  	s29 =	simm.s32 $0x9;
	_ =	strace $0x80000048  }
0xb5: {  	_ =	swait.ge [sflag:s29], $0x1  }
0xb6: {  	[sflag:s29] =	ssyncadd.s32 $0xFFFFFFFF  }
0xb7: {  	_ =	strace $0x90000048  }
0xb8: {  	_ =	sfence  }
0xb9: {  	s30 =	sld [smem:$0x0];
	_ =	sdelay $0x2  }
0xba: {  	s31 =	sshll.u32 s1, $0xD;
	s1 =	sshrl.u32 s1, $0x2  }
0xbb: {  	s3 =	sand.u32 $0x4000, s31;
	s1 =	sadd.s32 s1, s30  }
0xbc: {  	s0 =	sor.u32 s3, s0;
	s1 =	sshll.u32 s1, $0x11  }
0xbd: {  	s0 =	sor.u32 s1, s0  }
0xbe: {  	s0 =	sadd.s32 $0x8F2B, s0  }
0xbf: {  	[sflag:s0] =	ssyncadd.remote.s32 $0x1  }
0xc0: {  	_ =	sfence.sel $0xFFFF  }
0xc1: {  	[dreg:$0x0] =	wrdreg $0xFFFFFFFF;
	(pc) =	sbr.abs _section_cstart, $3  }
0xc2: {  	[dreg:$0x1] =	wrdreg $0xFFFFFFFF  }
0xc3: {  	_ =	task.clear_ibuf [dreg:s8], $0x2FFFF;
	_ =	strace $0x9FFFFFFF  }
0xc4: {  	(tm) =	ssettm $0x7FFFFFFF  }
0xc5: {  	_ =	shalt  }
tec
execute0_lowered:
.L_overlay_start_1:
0x0: {  	(tag) =	ssettag $0x1  }
0x1: {  	s2 =	rddreg [dreg:$0x0]  }
0x2: {  	s1 =	srdreg.scid;
	s7 =	rddreg [dreg:$0x1]  }
0x3: {  	s0 =	stileid.u32;
	s3 =	rddreg [dreg:$0x2];
	s12 =	simm.s32 $0x80  }
0x4: {  	s13 =	simm.s32 $0x1;
	s14 =	simm.s32 $0x100;
	s15 =	simm.s32 $0x2  }
0x5: {  	s16 =	simm.s32 $0x4100;
	s6 =	sand.u32 $0x1, s1;
	s26 =	sshll.u32 s0, $0x1  }
0x6: {  	s17 =	simm.s32 $0x8100;
	s18 =	simm.s32 $0x400;
	s1 =	sor.u32 s6, s26  }
0x7: {  	s19 =	simm.s32 $0x20000;
	s20 =	simm.s32 $0xA100;
	s5 =	smul.u32 $0x6400, s1  }
0x8: {  	s21 =	simm.s32 $0x3;
	s22 =	simm.s32 $0x0;
	s8 =	smul.u32 $0x12000, s1  }
0x9: {  	s30 =	simm.s32 $0x5;
	s10 =	ssub.s32 $0x2, s6;
	s4 =	smul.u32 $0xC8, s1  }
0xa: {  	s6 =	sadd.s32 $0x400, s7;
	s9 =	sand.u32 $0xE0000, s5;
	s8 =	sand.u32 $0x1E000, s8  }
0xb: {  	s31 =	sshrl.u32 s10, $0x1;
	s28 =	sand.u32 $0x380, s4;
	s8 =	sor.u32 s8, s9  }
0xc: {  	v0 =	vlaneseq.u32;
	s1 =	rddreg [dreg:$0x3];
	s11 =	ssub.s32 s10, s31;
	s29 =	sor.u32 s28, s8  }
0xd: {  	v0 =	vmul.u32 $0x80, v0;
	s5 =	simm.s32 $0x0;
	s10 =	sor.u32 $0x3, s4;
	s9 =	sshrl.u32 s29, $0x3  }
0xe: {  	s11 =	smax.u32 s11, $0x1;
	[smem:$0x7FF] =	sst s5;
	s7 =	sadd.s32 s2, s9  }
0xf: {  	v1 =	vor.u32 $0x800, v0;
	v2 =	vor.u32 $0x1000, v0;
	v3 =	vor.u32 $0x1800, v0;
	_ =	strace $0x80000047;
	s9 =	sor.u32 $0x2, s4;
	s8 =	sadd.s32 $0x80, s7  }
.LBB2_1:
0x10: {  	[tilespmem:s5], [sflag:$0x1] =	stream.linear.gather [hbm4b:s7+s5], $0x80, $0x38;
	[tilespmem:$0xC100] =	vst v63  }
0x11: {  	_ = 	snop  }
0x12: {  	[tilespmem:s12], [sflag:$0x1] =	stream.linear.gather [hbm4b:s8+s5], $0x80, $0x38;
	[tilespmem:$0xC100] =	vst v63  }
0x13: {  	_ =	swait.ge [sflag:s13], $0x80  }
0x14: {  	[sflag:s13] =	ssyncset.done $0x0  }
0x15: {  	s23 =	simm.s32 $0x0;
	[sflag:s13] =	ssyncadd.s32 $0xFFFFFF80  }
0x16: {  	[tilespmem:s14], [sflag:$0x2] =	stream.indirect.gather [hbm4b:s6+s12], $0x80, s5, s12, $0xb8;
	[tilespmem:$0xC100] =	vst v63  }
.LBB2_2:
0x17: {  	s25 =	sshll.u32 s23, $0x1;
	p0 =	seq.s32 s23, $0x63  }
0x18: {  	s24 =	sadd.s32 @!p0 s25, s9  }
0x19: {  	s26 =	sshll.u32 @!p0 s24, $0xA  }
0x1a: {  	s28 =	sshll.u32 @!p0 s24, $0x7;
	s24 =	sand.u32 @!p0 $0x380, s24;
	s26 =	sand.u32 @!p0 $0x1F800, s26  }
0x1b: {  	s28 =	sand.u32 @!p0 $0x7FFE0000, s28;
	s24 =	sor.u32 @!p0 s24, s26  }
0x1c: {  	_ =	swait.ge [sflag:s15], $0x4000;
	s24 =	sor.u32 @!p0 s28, s24  }
0x1d: {  	[sflag:s15] =	ssyncset.done $0x0;
	s24 =	sshrl.u32 @!p0 s24, $0x3  }
0x1e: {  	[sflag:s15] =	ssyncadd.s32 $0xFFFFC000;
	s26 =	simm.s32 @!p0 $0x0;
	s24 =	sadd.s32 @!p0 s2, s24  }
0x1f: {  	[tilespmem:s26], [sflag:$0x1] =	stream.linear.gather @!p0 [hbm4b:s24+s26], $0x80, $0x38;
	[tilespmem:$0xC100] =	vst v63  }
0x20: {  	_ =	swait.ge [sflag:s13], $0x80  }
0x21: {  	p1 =	seq.s32 s23, $0x0;
	s31 =	simm.s32 $0x0;
	[sflag:s13] =	ssyncset.done $0x0  }
0x22: {  	s29 =	simm.s32 $0x7;
	s24 =	simm.s32 @!p1 $0x3;
	[sflag:s13] =	ssyncadd.s32 $0xFFFFFF80  }
0x23: {  	[tilespmem:s16], [sflag:$0x2] =	stream.indirect.gather [hbm4b:s6+s12], $0x80, s12, s12, $0xb8;
	[tilespmem:$0xC100] =	vst v63  }
0x24: {  	v10 =	vmov s30;
	v4 =	vmov s31;
	s31 =	simm.s32 $0x1;
	v8 =	vmov s29;
	_ =	swait.ge @!p1 [sflag:s24], $0x2000  }
0x25: {  	v4 =	vand.u32 $0x78, v4;
	v5 =	vmov s31;
	s31 =	simm.s32 $0x2;
	v8 =	vand.u32 $0x7F, v8;
	[sflag:s24] =	ssyncset.done @!p1 $0x0  }
0x26: {  	v6 =	vmov s31;
	s31 =	simm.s32 $0x6;
	v15 =	vbroadcast v4, $0x0;
	v14 =	vbroadcast v8, $0x0;
	s26 =	simm.s32 $0x300;
	[sflag:s24] =	ssyncadd.s32 @!p1 $0xFFFFE000  }
0x27: {  	v5 =	vand.u32 $0x79, v5;
	v11 =	vmov s31;
	v6 =	vand.u32 $0x7A, v6;
	v4 =	vld [tilespmem:s26+$0x180]  }
0x28: {  	v20 =	vbroadcast v5, $0x0;
	v5 =	vand.u32 $0x7D, v10;
	s28 =	simm.s32 $0x3;
	v16 =	vor.u32 v0, v14;
	v12 =	vld [tilespmem:s26+$0xFFFFFE00]  }
0x29: {  	v10 =	vor.u32 v0, v15;
	v24 =	vbroadcast v6, $0x0;
	v7 =	vmov s28;
	s28 =	simm.s32 $0x4;
	v13 =	vld [tilespmem:s26+$0xFFFFFE80]  }
0x2a: {  	v11 =	vand.u32 $0x7E, v11;
	v9 =	vmov s28;
	v7 =	vand.u32 $0x7B, v7;
	v17 =	vld [tilespmem:s26+$0xFFFFFF00]  }
0x2b: {  	v18 =	vor.u32 v0, v20;
	v9 =	vand.u32 $0x7C, v9;
	v8 =	vbroadcast v7, $0x0;
	v19 =	vld [tilespmem:s26+$0xFFFFFF80]  }
0x2c: {  	v21 =	vor.u32 v0, v24;
	v7 =	vbroadcast v9, $0x0;
	v22 =	vld [tilespmem:s26+$0x0];
	v4 =	vmul.f32 $8.000000000e+00, v4  }
0x2d: {  	v6 =	vbroadcast v5, $0x0;
	v23 =	vld [tilespmem:s26+$0x80];
	v9 =	vmul.f32 $8.000000000e+00, v12;
	v12 =	vor.u32 v0, v8  }
0x2e: {  	v5 =	vbroadcast v11, $0x0;
	v25 =	vor.u32 v0, v7;
	v26 =	vld [tilespmem:s26+$0x100];
	v13 =	vmul.f32 $8.000000000e+00, v13;
	[tilespmem:v16+s17+$0x0] =	vst.idx.msk $0xffff, v4  }
0x2f: {  	[tilespmem:v10+s17+$0x0] =	vst.idx.msk $0xffff, v9;
	v4 =	vmul.f32 $8.000000000e+00, v17;
	v9 =	vor.u32 v0, v6;
	v10 =	vld [tilespmem:s26+$0x190]  }
0x30: {  	[tilespmem:v18+s17+$0x0] =	vst.idx.msk $0xffff, v13;
	v13 =	vmul.f32 $8.000000000e+00, v19;
	v16 =	vor.u32 v0, v5;
	v11 =	vld [tilespmem:s26+$0xFFFFFE10]  }
0x31: {  	v18 =	vor.u32 v1, v14;
	v17 =	vld [tilespmem:s26+$0xFFFFFE90];
	[tilespmem:v21+s17+$0x0] =	vst.idx.msk $0xffff, v4;
	v4 =	vmul.f32 $8.000000000e+00, v22  }
0x32: {  	v19 =	vor.u32 v1, v15;
	v21 =	vld [tilespmem:s26+$0xFFFFFF10];
	[tilespmem:v12+s17+$0x0] =	vst.idx.msk $0xffff, v13;
	v12 =	vmul.f32 $8.000000000e+00, v23  }
0x33: {  	v13 =	vor.u32 v1, v20;
	v22 =	vld [tilespmem:s26+$0xFFFFFF90];
	[tilespmem:v25+s17+$0x0] =	vst.idx.msk $0xffff, v4;
	v4 =	vmul.f32 $8.000000000e+00, v26  }
0x34: {  	v23 =	vor.u32 v1, v24;
	v25 =	vld [tilespmem:s26+$0x10];
	[tilespmem:v9+s17+$0x0] =	vst.idx.msk $0xffff, v12;
	v9 =	vmul.f32 $8.000000000e+00, v10  }
0x35: {  	v10 =	vmul.f32 $8.000000000e+00, v11;
	v11 =	vor.u32 v1, v8;
	v12 =	vld [tilespmem:s26+$0x90];
	[tilespmem:v16+s17+$0x0] =	vst.idx.msk $0xffff, v4  }
0x36: {  	v4 =	vmul.f32 $8.000000000e+00, v17;
	v16 =	vor.u32 v1, v7;
	v17 =	vld [tilespmem:s26+$0x110];
	[tilespmem:v18+s17+$0x0] =	vst.idx.msk $0xffff, v9  }
0x37: {  	s31 =	simm.s32 $0x8;
	v27 =	vor.u32 v2, v15;
	[tilespmem:v19+s17+$0x0] =	vst.idx.msk $0xffff, v10;
	v10 =	vmul.f32 $8.000000000e+00, v21;
	v18 =	vor.u32 v1, v6;
	v19 =	vld [tilespmem:s26+$0x1A0]  }
0x38: {  	v9 =	vmov s31;
	s31 =	simm.s32 $0x9;
	[tilespmem:v13+s17+$0x0] =	vst.idx.msk $0xffff, v4;
	v13 =	vor.u32 v1, v5;
	v21 =	vld [tilespmem:s26+$0xFFFFFE20];
	v4 =	vmul.f32 $8.000000000e+00, v22  }
0x39: {  	v22 =	vmov s31;
	s31 =	simm.s32 $0xA;
	v26 =	vld [tilespmem:s26+$0xFFFFFEA0];
	[tilespmem:v23+s17+$0x0] =	vst.idx.msk $0xffff, v10;
	v10 =	vmul.f32 $8.000000000e+00, v25;
	v23 =	vor.u32 v2, v14  }
0x3a: {  	v29 =	vor.u32 v2, v20;
	v25 =	vmov s31;
	s31 =	simm.s32 $0xB;
	v28 =	vld [tilespmem:s26+$0xFFFFFF20];
	[tilespmem:v11+s17+$0x0] =	vst.idx.msk $0xffff, v4;
	v4 =	vmul.f32 $8.000000000e+00, v12  }
0x3b: {  	v31 =	vor.u32 v2, v24;
	v11 =	vmov s31;
	s31 =	simm.s32 $0xC;
	v30 =	vld [tilespmem:s26+$0xFFFFFFA0];
	[tilespmem:v16+s17+$0x0] =	vst.idx.msk $0xffff, v10;
	v10 =	vmul.f32 $8.000000000e+00, v17  }
0x3c: {  	v34 =	vor.u32 v2, v8;
	v16 =	vmov s31;
	s31 =	simm.s32 $0xD;
	v32 =	vld [tilespmem:s26+$0x20];
	[tilespmem:v18+s17+$0x0] =	vst.idx.msk $0xffff, v4;
	v4 =	vmul.f32 $8.000000000e+00, v19  }
0x3d: {  	v9 =	vand.u32 $0x78, v9;
	v33 =	vmov s31;
	v17 =	vmul.f32 $8.000000000e+00, v21;
	v35 =	vld [tilespmem:s26+$0xA0];
	[tilespmem:v13+s17+$0x0] =	vst.idx.msk $0xffff, v10  }
0x3e: {  	v18 =	vor.u32 v3, v15;
	v10 =	vmul.f32 $8.000000000e+00, v26;
	v26 =	vor.u32 v2, v7;
	v36 =	vld [tilespmem:s26+$0x120];
	[tilespmem:v23+s17+$0x0] =	vst.idx.msk $0xffff, v4  }
0x3f: {  	v4 =	vbroadcast v9, $0x0;
	[tilespmem:v27+s17+$0x0] =	vst.idx.msk $0xffff, v17;
	v9 =	vmul.f32 $8.000000000e+00, v28;
	v27 =	vor.u32 v2, v6;
	v62 =	vld [tilespmem:s26+$0x1B0]  }
0x40: {  	v17 =	vand.u32 $0x79, v22;
	[tilespmem:v29+s17+$0x0] =	vst.idx.msk $0xffff, v10;
	v22 =	vor.u32 v2, v5;
	v21 =	vld [tilespmem:s26+$0xFFFFFE30];
	v10 =	vmul.f32 $8.000000000e+00, v30  }
0x41: {  	s31 =	simm.s32 $0xE;
	v13 =	vand.u32 $0x7A, v25;
	v23 =	vld [tilespmem:s26+$0xFFFFFEB0];
	[tilespmem:v31+s17+$0x0] =	vst.idx.msk $0xffff, v9;
	v25 =	vmul.f32 $8.000000000e+00, v32;
	v9 =	vor.u32 v3, v14  }
0x42: {  	v16 =	vand.u32 $0x7C, v16;
	v12 =	vmov s31;
	v19 =	vld [tilespmem:s26+$0xFFFFFF30];
	[tilespmem:v34+s17+$0x0] =	vst.idx.msk $0xffff, v10;
	v63 =	vmul.f32 $8.000000000e+00, v35  }
0x43: {  	v14 =	vand.u32 $0x7B, v11;
	v11 =	vor.u32 v3, v20;
	v20 =	vld [tilespmem:s26+$0xFFFFFFB0];
	[tilespmem:v26+s17+$0x0] =	vst.idx.msk $0xffff, v25;
	v25 =	vmul.f32 $8.000000000e+00, v36  }
0x44: {  	s29 =	simm.s32 $0xF;
	s28 =	simm.s32 $0x10;
	s24 =	sor.u32 $0x1, s25;
	v15 =	vand.u32 $0x7D, v33;
	v10 =	vor.u32 v3, v24;
	v24 =	vld [tilespmem:s26+$0x30];
	[tilespmem:v27+s17+$0x0] =	vst.idx.msk $0xffff, v63;
	v26 =	vmul.f32 $8.000000000e+00, v62  }
.LBB2_3:
0x45: {  	p1 =	slt.u32 s28, $0x78;
	v27 =	vmov s29;
	v21 =	vmul.f32 $8.000000000e+00, v21;
	v8 =	vor.u32 v3, v8;
	v28 =	vld [tilespmem:s26+$0xB0];
	[tilespmem:v22+s17+$0x0] =	vst.idx.msk $0xffff, v25  }
0x46: {  	v7 =	vor.u32 v3, v7;
	v22 =	vand.u32 $0x7F, v27;
	v23 =	vmul.f32 $8.000000000e+00, v23;
	v25 =	vld [tilespmem:s26+$0x130];
	[tilespmem:v9+s17+$0x0] =	vst.idx.msk $0xffff, v26;
	s26 =	sadd.s32 $0x400, s26  }
0x47: {  	v6 =	vor.u32 v3, v6;
	v26 =	vld [tilespmem:s26+$0x180];
	v9 =	vbroadcast v22, $0x0;
	[tilespmem:v18+s17+$0x0] =	vst.idx.msk $0xffff, v21;
	v18 =	vmul.f32 $8.000000000e+00, v19  }
0x48: {  	v12 =	vand.u32 $0x7E, v12;
	v5 =	vor.u32 v3, v5;
	v19 =	vld [tilespmem:s26+$0xFFFFFE00];
	[tilespmem:v11+s17+$0x0] =	vst.idx.msk $0xffff, v23;
	v20 =	vmul.f32 $8.000000000e+00, v20  }
0x49: {  	v11 =	vbroadcast v17, $0x0;
	v21 =	vld [tilespmem:s26+$0xFFFFFE80];
	v17 =	vor.u32 v0, v9;
	[tilespmem:v10+s17+$0x0] =	vst.idx.msk $0xffff, v18;
	v18 =	vmul.f32 $8.000000000e+00, v24  }
0x4a: {  	v22 =	vor.u32 v0, v4;
	v10 =	vbroadcast v13, $0x0;
	v23 =	vld [tilespmem:s26+$0xFFFFFF00];
	[tilespmem:v8+s17+$0x0] =	vst.idx.msk $0xffff, v20;
	v13 =	vmul.f32 $8.000000000e+00, v28  }
0x4b: {  	v20 =	vor.u32 v0, v11;
	v8 =	vbroadcast v14, $0x0;
	v24 =	vld [tilespmem:s26+$0xFFFFFF80];
	[tilespmem:v7+s17+$0x0] =	vst.idx.msk $0xffff, v18;
	v14 =	vmul.f32 $8.000000000e+00, v25  }
0x4c: {  	v18 =	vor.u32 v0, v10;
	v7 =	vbroadcast v16, $0x0;
	v25 =	vld [tilespmem:s26+$0x0];
	v16 =	vmul.f32 $8.000000000e+00, v26;
	[tilespmem:v6+s17+$0x0] =	vst.idx.msk $0xffff, v13  }
0x4d: {  	v6 =	vbroadcast v15, $0x0;
	v13 =	vmul.f32 $8.000000000e+00, v19;
	v19 =	vor.u32 v0, v8;
	v26 =	vld [tilespmem:s26+$0x80];
	[tilespmem:v5+s17+$0x0] =	vst.idx.msk $0xffff, v14  }
0x4e: {  	v15 =	vor.u32 v0, v7;
	v5 =	vbroadcast v12, $0x0;
	v14 =	vmul.f32 $8.000000000e+00, v21;
	v21 =	vld [tilespmem:s26+$0x100];
	[tilespmem:v17+s17+$0x0] =	vst.idx.msk $0xffff, v16  }
0x4f: {  	[tilespmem:v22+s17+$0x0] =	vst.idx.msk $0xffff, v13;
	v12 =	vmul.f32 $8.000000000e+00, v23;
	v13 =	vor.u32 v0, v6;
	v16 =	vld [tilespmem:s26+$0x190]  }
0x50: {  	v17 =	vld [tilespmem:s26+$0xFFFFFE10];
	[tilespmem:v20+s17+$0x0] =	vst.idx.msk $0xffff, v14;
	v14 =	vmul.f32 $8.000000000e+00, v24;
	v20 =	vor.u32 v0, v5  }
0x51: {  	v22 =	vld [tilespmem:s26+$0xFFFFFE90];
	[tilespmem:v18+s17+$0x0] =	vst.idx.msk $0xffff, v12;
	v12 =	vmul.f32 $8.000000000e+00, v25;
	v18 =	vor.u32 v1, v9  }
0x52: {  	v23 =	vor.u32 v1, v4;
	v24 =	vld [tilespmem:s26+$0xFFFFFF10];
	[tilespmem:v19+s17+$0x0] =	vst.idx.msk $0xffff, v14;
	v14 =	vmul.f32 $8.000000000e+00, v26  }
0x53: {  	v19 =	vor.u32 v1, v11;
	v25 =	vld [tilespmem:s26+$0xFFFFFF90];
	[tilespmem:v15+s17+$0x0] =	vst.idx.msk $0xffff, v12;
	v12 =	vmul.f32 $8.000000000e+00, v21  }
0x54: {  	v15 =	vor.u32 v1, v10;
	v21 =	vld [tilespmem:s26+$0x10];
	[tilespmem:v13+s17+$0x0] =	vst.idx.msk $0xffff, v14;
	v13 =	vmul.f32 $8.000000000e+00, v16  }
0x55: {  	v16 =	vor.u32 v1, v8;
	v14 =	vmul.f32 $8.000000000e+00, v17;
	v17 =	vld [tilespmem:s26+$0x90];
	[tilespmem:v20+s17+$0x0] =	vst.idx.msk $0xffff, v12  }
0x56: {  	v20 =	vor.u32 v1, v7;
	v12 =	vmul.f32 $8.000000000e+00, v22;
	v22 =	vld [tilespmem:s26+$0x110];
	[tilespmem:v18+s17+$0x0] =	vst.idx.msk $0xffff, v13  }
0x57: {  	v13 =	vmov s28;
	v18 =	vor.u32 v1, v6;
	[tilespmem:v23+s17+$0x0] =	vst.idx.msk $0xffff, v14;
	v14 =	vmul.f32 $8.000000000e+00, v24;
	v23 =	vld [tilespmem:s26+$0x1A0]  }
0x58: {  	s29 =	sadd.s32 $0x1, s28;
	v13 =	vand.u32 $0x78, v13;
	v24 =	vld [tilespmem:s26+$0xFFFFFE20];
	[tilespmem:v19+s17+$0x0] =	vst.idx.msk $0xffff, v12;
	v12 =	vmul.f32 $8.000000000e+00, v25;
	v19 =	vor.u32 v1, v5  }
0x59: {  	v25 =	vmov s29;
	s29 =	sadd.s32 $0x2, s28;
	v26 =	vld [tilespmem:s26+$0xFFFFFEA0];
	[tilespmem:v15+s17+$0x0] =	vst.idx.msk $0xffff, v14;
	v14 =	vmul.f32 $8.000000000e+00, v21;
	v15 =	vor.u32 v2, v9  }
0x5a: {  	v27 =	vmov s29;
	s29 =	sadd.s32 $0x3, s28;
	v21 =	vor.u32 v2, v4;
	v28 =	vld [tilespmem:s26+$0xFFFFFF20];
	[tilespmem:v16+s17+$0x0] =	vst.idx.msk $0xffff, v12;
	v12 =	vmul.f32 $8.000000000e+00, v17  }
0x5b: {  	v29 =	vor.u32 v2, v11;
	v16 =	vmov s29;
	s29 =	sadd.s32 $0x4, s28;
	v30 =	vld [tilespmem:s26+$0xFFFFFFA0];
	[tilespmem:v20+s17+$0x0] =	vst.idx.msk $0xffff, v14;
	v14 =	vmul.f32 $8.000000000e+00, v22  }
0x5c: {  	v31 =	vor.u32 v2, v10;
	v20 =	vmov s29;
	s29 =	sadd.s32 $0x5, s28;
	v32 =	vld [tilespmem:s26+$0x20];
	[tilespmem:v18+s17+$0x0] =	vst.idx.msk $0xffff, v12;
	v17 =	vmul.f32 $8.000000000e+00, v23  }
0x5d: {  	v33 =	vmov s29;
	s29 =	sadd.s32 $0x6, s28;
	v18 =	vmul.f32 $8.000000000e+00, v24;
	v24 =	vor.u32 v2, v8;
	v34 =	vld [tilespmem:s26+$0xA0];
	[tilespmem:v19+s17+$0x0] =	vst.idx.msk $0xffff, v14  }
0x5e: {  	v12 =	vmov s29;
	v14 =	vmul.f32 $8.000000000e+00, v26;
	v26 =	vor.u32 v2, v7;
	v35 =	vld [tilespmem:s26+$0x120];
	[tilespmem:v15+s17+$0x0] =	vst.idx.msk $0xffff, v17  }
0x5f: {  	v15 =	vbroadcast v13, $0x0;
	[tilespmem:v21+s17+$0x0] =	vst.idx.msk $0xffff, v18;
	v18 =	vmul.f32 $8.000000000e+00, v28;
	v28 =	vor.u32 v2, v6;
	v36 =	vld [tilespmem:s26+$0x1B0]  }
.Ltmp0:
0x60: {  	v22 =	vor.u32 v2, v5;
	v17 =	vand.u32 $0x79, v25;
	v21 =	vld [tilespmem:s26+$0xFFFFFE30];
	[tilespmem:v29+s17+$0x0] =	vst.idx.msk $0xffff, v14;
	v25 =	vmul.f32 $8.000000000e+00, v30;
	(pc) =	sbr.rel @p1 .LBB2_3-.Ltmp0, $4  }
0x61: {  	v9 =	vor.u32 v3, v9;
	v13 =	vand.u32 $0x7A, v27;
	v23 =	vld [tilespmem:s26+$0xFFFFFEB0];
	[tilespmem:v31+s17+$0x0] =	vst.idx.msk $0xffff, v18;
	v27 =	vmul.f32 $8.000000000e+00, v32  }
0x62: {  	v14 =	vand.u32 $0x7B, v16;
	v18 =	vor.u32 v3, v4;
	v4 =	vmovc v15;
	v19 =	vld [tilespmem:s26+$0xFFFFFF30];
	[tilespmem:v24+s17+$0x0] =	vst.idx.msk $0xffff, v25;
	v29 =	vmul.f32 $8.000000000e+00, v34  }
0x63: {  	v11 =	vor.u32 v3, v11;
	v16 =	vand.u32 $0x7C, v20;
	v20 =	vld [tilespmem:s26+$0xFFFFFFB0];
	[tilespmem:v26+s17+$0x0] =	vst.idx.msk $0xffff, v27;
	v25 =	vmul.f32 $8.000000000e+00, v35  }
0x64: {  	v10 =	vor.u32 v3, v10;
	s29 =	sadd.s32 $0x7, s28;
	s28 =	sadd.s32 $0x8, s28;
	v15 =	vand.u32 $0x7D, v33;
	v24 =	vld [tilespmem:s26+$0x30];
	[tilespmem:v28+s17+$0x0] =	vst.idx.msk $0xffff, v29;
	v26 =	vmul.f32 $8.000000000e+00, v36  }
0x65: {  	_ =	sdelay $0x3  }
0x66: {  	v27 =	vmov s29;
	v21 =	vmul.f32 $8.000000000e+00, v21;
	v8 =	vor.u32 v3, v8;
	v28 =	vld [tilespmem:s26+$0xB0];
	[tilespmem:v22+s17+$0x0] =	vst.idx.msk $0xffff, v25  }
0x67: {  	v7 =	vor.u32 v3, v7;
	s29 =	sadd.s32 $0x400, s26;
	v22 =	vand.u32 $0x7F, v27;
	v23 =	vmul.f32 $8.000000000e+00, v23;
	v25 =	vld [tilespmem:s26+$0x130];
	[tilespmem:v9+s17+$0x0] =	vst.idx.msk $0xffff, v26  }
0x68: {  	v6 =	vor.u32 v3, v6;
	v9 =	vld [tilespmem:s29+$0x180];
	v22 =	vbroadcast v22, $0x0;
	[tilespmem:v18+s17+$0x0] =	vst.idx.msk $0xffff, v21;
	v18 =	vmul.f32 $8.000000000e+00, v19  }
0x69: {  	v12 =	vand.u32 $0x7E, v12;
	v5 =	vor.u32 v3, v5;
	v19 =	vld [tilespmem:s29+$0xFFFFFE00];
	[tilespmem:v11+s17+$0x0] =	vst.idx.msk $0xffff, v23;
	v11 =	vmul.f32 $8.000000000e+00, v20  }
0x6a: {  	v17 =	vbroadcast v17, $0x0;
	v20 =	vld [tilespmem:s29+$0xFFFFFE80];
	v21 =	vor.u32 v0, v22;
	[tilespmem:v10+s17+$0x0] =	vst.idx.msk $0xffff, v18;
	v10 =	vmul.f32 $8.000000000e+00, v24  }
0x6b: {  	v13 =	vbroadcast v13, $0x0;
	v23 =	vld [tilespmem:s29+$0xFFFFFF00];
	v18 =	vor.u32 v0, v4;
	[tilespmem:v8+s17+$0x0] =	vst.idx.msk $0xffff, v11;
	v8 =	vmul.f32 $8.000000000e+00, v28  }
0x6c: {  	v14 =	vbroadcast v14, $0x0;
	v24 =	vld [tilespmem:s29+$0xFFFFFF80];
	v11 =	vor.u32 v0, v17;
	[tilespmem:v7+s17+$0x0] =	vst.idx.msk $0xffff, v10;
	v7 =	vmul.f32 $8.000000000e+00, v25  }
0x6d: {  	v16 =	vbroadcast v16, $0x0;
	v10 =	vor.u32 v0, v13;
	v25 =	vld [tilespmem:s29+$0x0];
	v9 =	vmul.f32 $8.000000000e+00, v9;
	[tilespmem:v6+s17+$0x0] =	vst.idx.msk $0xffff, v8  }
0x6e: {  	v15 =	vbroadcast v15, $0x0;
	v6 =	vmul.f32 $8.000000000e+00, v19;
	v8 =	vor.u32 v0, v14;
	v19 =	vld [tilespmem:s29+$0x80];
	[tilespmem:v5+s17+$0x0] =	vst.idx.msk $0xffff, v7  }
0x6f: {  	v12 =	vbroadcast v12, $0x0;
	v5 =	vmul.f32 $8.000000000e+00, v20;
	v7 =	vor.u32 v0, v16;
	v20 =	vld [tilespmem:s29+$0x100];
	[tilespmem:v21+s17+$0x0] =	vst.idx.msk $0xffff, v9  }
0x70: {  	[tilespmem:v18+s17+$0x0] =	vst.idx.msk $0xffff, v6;
	v6 =	vmul.f32 $8.000000000e+00, v23;
	v9 =	vor.u32 v0, v15;
	v18 =	vld [tilespmem:s29+$0x190]  }
0x71: {  	v21 =	vld [tilespmem:s29+$0xFFFFFE10];
	[tilespmem:v11+s17+$0x0] =	vst.idx.msk $0xffff, v5;
	v5 =	vmul.f32 $8.000000000e+00, v24;
	v11 =	vor.u32 v0, v12  }
0x72: {  	v23 =	vld [tilespmem:s29+$0xFFFFFE90];
	[tilespmem:v10+s17+$0x0] =	vst.idx.msk $0xffff, v6;
	v6 =	vmul.f32 $8.000000000e+00, v25;
	v10 =	vor.u32 v1, v22  }
0x73: {  	v24 =	vor.u32 v1, v4;
	v25 =	vld [tilespmem:s29+$0xFFFFFF10];
	[tilespmem:v8+s17+$0x0] =	vst.idx.msk $0xffff, v5;
	v5 =	vmul.f32 $8.000000000e+00, v19  }
0x74: {  	v8 =	vor.u32 v1, v17;
	v19 =	vld [tilespmem:s29+$0xFFFFFF90];
	[tilespmem:v7+s17+$0x0] =	vst.idx.msk $0xffff, v6;
	v6 =	vmul.f32 $8.000000000e+00, v20  }
0x75: {  	v7 =	vor.u32 v1, v13;
	v20 =	vld [tilespmem:s29+$0x10];
	[tilespmem:v9+s17+$0x0] =	vst.idx.msk $0xffff, v5;
	v5 =	vmul.f32 $8.000000000e+00, v18  }
0x76: {  	v9 =	vmul.f32 $8.000000000e+00, v21;
	v18 =	vor.u32 v1, v14;
	v21 =	vld [tilespmem:s29+$0x90];
	[tilespmem:v11+s17+$0x0] =	vst.idx.msk $0xffff, v6  }
0x77: {  	v11 =	vor.u32 v1, v16;
	v6 =	vmul.f32 $8.000000000e+00, v23;
	v23 =	vld [tilespmem:s29+$0x110];
	[tilespmem:v10+s17+$0x0] =	vst.idx.msk $0xffff, v5  }
0x78: {  	[tilespmem:v24+s17+$0x0] =	vst.idx.msk $0xffff, v9;
	v5 =	vmul.f32 $8.000000000e+00, v25;
	v9 =	vor.u32 v1, v15;
	v10 =	vld [tilespmem:s29+$0x1A0]  }
0x79: {  	v24 =	vld [tilespmem:s29+$0xFFFFFE20];
	[tilespmem:v8+s17+$0x0] =	vst.idx.msk $0xffff, v6;
	v6 =	vmul.f32 $8.000000000e+00, v19;
	v8 =	vor.u32 v1, v12  }
0x7a: {  	v19 =	vld [tilespmem:s29+$0xFFFFFEA0];
	[tilespmem:v7+s17+$0x0] =	vst.idx.msk $0xffff, v5;
	v5 =	vmul.f32 $8.000000000e+00, v20;
	v7 =	vor.u32 v2, v22  }
0x7b: {  	v20 =	vor.u32 v2, v4;
	v25 =	vld [tilespmem:s29+$0xFFFFFF20];
	[tilespmem:v18+s17+$0x0] =	vst.idx.msk $0xffff, v6;
	v6 =	vmul.f32 $8.000000000e+00, v21  }
0x7c: {  	v18 =	vor.u32 v2, v17;
	v21 =	vld [tilespmem:s29+$0xFFFFFFA0];
	[tilespmem:v11+s17+$0x0] =	vst.idx.msk $0xffff, v5;
	v5 =	vmul.f32 $8.000000000e+00, v23  }
0x7d: {  	v11 =	vor.u32 v2, v13;
	v23 =	vld [tilespmem:s29+$0x20];
	[tilespmem:v9+s17+$0x0] =	vst.idx.msk $0xffff, v6;
	v6 =	vmul.f32 $8.000000000e+00, v10  }
0x7e: {  	v9 =	vmul.f32 $8.000000000e+00, v24;
	v10 =	vor.u32 v2, v14;
	v24 =	vld [tilespmem:s29+$0xA0];
	[tilespmem:v8+s17+$0x0] =	vst.idx.msk $0xffff, v5  }
0x7f: {  	v8 =	vor.u32 v2, v16;
	v5 =	vmul.f32 $8.000000000e+00, v19;
	v19 =	vld [tilespmem:s29+$0x120];
	[tilespmem:v7+s17+$0x0] =	vst.idx.msk $0xffff, v6  }
0x80: {  	[tilespmem:v20+s17+$0x0] =	vst.idx.msk $0xffff, v9;
	v6 =	vmul.f32 $8.000000000e+00, v25;
	v7 =	vor.u32 v2, v15;
	v9 =	vld [tilespmem:s29+$0x1B0]  }
0x81: {  	v20 =	vld [tilespmem:s29+$0xFFFFFE30];
	[tilespmem:v18+s17+$0x0] =	vst.idx.msk $0xffff, v5;
	v5 =	vmul.f32 $8.000000000e+00, v21;
	v18 =	vor.u32 v2, v12  }
0x82: {  	v21 =	vld [tilespmem:s29+$0xFFFFFEB0];
	[tilespmem:v11+s17+$0x0] =	vst.idx.msk $0xffff, v6;
	v6 =	vmul.f32 $8.000000000e+00, v23;
	v11 =	vor.u32 v3, v22  }
0x83: {  	v4 =	vor.u32 v3, v4;
	v22 =	vld [tilespmem:s29+$0xFFFFFF30];
	[tilespmem:v10+s17+$0x0] =	vst.idx.msk $0xffff, v5;
	v5 =	vmul.f32 $8.000000000e+00, v24  }
0x84: {  	v10 =	vor.u32 v3, v17;
	v17 =	vld [tilespmem:s29+$0xFFFFFFB0];
	[tilespmem:v8+s17+$0x0] =	vst.idx.msk $0xffff, v6;
	v6 =	vmul.f32 $8.000000000e+00, v19  }
0x85: {  	v8 =	vor.u32 v3, v13;
	v13 =	vld [tilespmem:s29+$0x30];
	[tilespmem:v7+s17+$0x0] =	vst.idx.msk $0xffff, v5;
	v5 =	vmul.f32 $8.000000000e+00, v9  }
0x86: {  	v7 =	vmul.f32 $8.000000000e+00, v20;
	v9 =	vor.u32 v3, v14;
	v14 =	vld [tilespmem:s29+$0xB0];
	[tilespmem:v18+s17+$0x0] =	vst.idx.msk $0xffff, v6  }
0x87: {  	v16 =	vor.u32 v3, v16;
	v6 =	vmul.f32 $8.000000000e+00, v21;
	v18 =	vld [tilespmem:s29+$0x130];
	[tilespmem:v11+s17+$0x0] =	vst.idx.msk $0xffff, v5  }
0x88: {  	[tilespmem:v4+s17+$0x0] =	vst.idx.msk $0xffff, v7;
	v4 =	vmul.f32 $8.000000000e+00, v22;
	v5 =	vor.u32 v3, v15  }
0x89: {  	v7 =	vor.u32 v3, v12;
	[tilespmem:v10+s17+$0x0] =	vst.idx.msk $0xffff, v6;
	v6 =	vmul.f32 $8.000000000e+00, v17  }
0x8a: {  	s31 =	sadd.s32 s4, s25;
	[tilespmem:v8+s17+$0x0] =	vst.idx.msk $0xffff, v4;
	v4 =	vmul.f32 $8.000000000e+00, v13  }
0x8b: {  	s28 =	sshll.u32 s31, $0x7;
	[tilespmem:v9+s17+$0x0] =	vst.idx.msk $0xffff, v6;
	v6 =	vmul.f32 $8.000000000e+00, v14  }
0x8c: {  	s26 =	sshll.u32 s31, $0xA;
	s28 =	sand.u32 $0x3F00, s28;
	[tilespmem:v16+s17+$0x0] =	vst.idx.msk $0xffff, v4;
	v4 =	vmul.f32 $8.000000000e+00, v18  }
0x8d: {  	s26 =	sand.u32 $0xFFE0000, s26;
	s28 =	sadd.s32 s3, s28;
	[tilespmem:v5+s17+$0x0] =	vst.idx.msk $0xffff, v6  }
0x8e: {  	s25 =	sadd.s32 @!p0 s25, s10;
	s26 =	sadd.s32 s26, s28;
	[tilespmem:v7+s17+$0x0] =	vst.idx.msk $0xffff, v4  }
0x8f: {  	[hbm4b:s26+s18] =	stream.strided.scatter [tilespmem:s17], [sflag:$0x3], $0x2000, s19, s18, $0x38;
	[tilespmem:$0xC100] =	vst v63  }
0x90: {  	s26 =	sshll.u32 @!p0 s25, $0xA  }
0x91: {  	s28 =	sshll.u32 @!p0 s25, $0x7;
	s25 =	sand.u32 @!p0 $0x380, s25;
	s26 =	sand.u32 @!p0 $0x1FC00, s26  }
0x92: {  	s28 =	sand.u32 @!p0 $0x7FFE0000, s28;
	s25 =	sor.u32 @!p0 s25, s26  }
0x93: {  	_ =	swait.ge [sflag:s15], $0x4000;
	s25 =	sor.u32 @!p0 s28, s25  }
0x94: {  	[sflag:s15] =	ssyncset.done $0x0;
	s26 =	simm.s32 @!p0 $0x0;
	s25 =	sshrl.u32 @!p0 s25, $0x3  }
0x95: {  	[sflag:s15] =	ssyncadd.s32 $0xFFFFC000;
	s28 =	simm.s32 @!p0 $0x80;
	s25 =	sadd.s32 @!p0 s2, s25  }
0x96: {  	[tilespmem:s28], [sflag:$0x1] =	stream.linear.gather @!p0 [hbm4b:s25+s26], $0x80, $0x38;
	[tilespmem:$0xC100] =	vst v63  }
0x97: {  	s25 =	simm.s32 @!p0 $0x1  }
0x98: {  	_ =	swait.ge @!p0 [sflag:s25], $0x80  }
0x99: {  	p1 =	seq.s32 @!p0 s23, $0x0;
	[sflag:s25] =	ssyncset.done @!p0 $0x0  }
0x9a: {  	s31 =	simm.s32 $0x1;
	[sflag:s25] =	ssyncadd.s32 @!p0 $0xFFFFFF80;
	s25 =	simm.s32 @!p0 $0x100  }
0x9b: {  	[tilespmem:s25], [sflag:$0x2] =	stream.indirect.gather @!p0 [hbm4b:s6+s28], $0x80, s26, s28, $0xb8;
	[tilespmem:$0xC100] =	vst v63  }
0x9c: {  	s29 =	simm.s32 $0x0;
	v5 =	vmov s31;
	s31 =	simm.s32 $0x5;
	p0 =	por p0, !p1  }
0x9d: {  	v4 =	vmov s29;
	v10 =	vmov s31;
	s28 =	simm.s32 $0x7;
	_ =	swait.ge @p0 [sflag:s21], $0x2000  }
0x9e: {  	s29 =	simm.s32 $0x3;
	v5 =	vand.u32 $0x79, v5;
	v4 =	vand.u32 $0x78, v4;
	v8 =	vmov s28;
	[sflag:s21] =	ssyncset.done @p0 $0x0  }
0x9f: {  	v7 =	vmov s29;
	v20 =	vbroadcast v5, $0x0;
	s25 =	simm.s32 $0x4300;
	v8 =	vand.u32 $0x7F, v8;
	[sflag:s21] =	ssyncadd.s32 @p0 $0xFFFFE000  }
0xa0: {  	s29 =	simm.s32 $0x6;
	v5 =	vand.u32 $0x7D, v10;
	v13 =	vbroadcast v4, $0x0;
	s26 =	simm.s32 $0x2;
	v15 =	vbroadcast v8, $0x0;
	v4 =	vld [tilespmem:s25+$0x180]  }
0xa1: {  	v11 =	vmov s29;
	v7 =	vand.u32 $0x7B, v7;
	v6 =	vmov s26;
	v12 =	vld [tilespmem:s25+$0xFFFFFE00]  }
0xa2: {  	v11 =	vand.u32 $0x7E, v11;
	s26 =	simm.s32 $0x4;
	v6 =	vand.u32 $0x7A, v6;
	v14 =	vld [tilespmem:s25+$0xFFFFFE80];
	v16 =	vor.u32 v0, v15  }
0xa3: {  	v10 =	vor.u32 v0, v13;
	v9 =	vmov s26;
	v21 =	vbroadcast v6, $0x0;
	v17 =	vld [tilespmem:s25+$0xFFFFFF00]  }
0xa4: {  	v18 =	vor.u32 v0, v20;
	v9 =	vand.u32 $0x7C, v9;
	v8 =	vbroadcast v7, $0x0;
	v19 =	vld [tilespmem:s25+$0xFFFFFF80]  }
0xa5: {  	v23 =	vld [tilespmem:s25+$0x0];
	v7 =	vbroadcast v9, $0x0;
	v22 =	vor.u32 v0, v21;
	v4 =	vmul.f32 $8.000000000e+00, v4  }
0xa6: {  	v6 =	vbroadcast v5, $0x0;
	v24 =	vld [tilespmem:s25+$0x80];
	v9 =	vmul.f32 $8.000000000e+00, v12;
	v12 =	vor.u32 v0, v8  }
0xa7: {  	v5 =	vbroadcast v11, $0x0;
	v26 =	vld [tilespmem:s25+$0x100];
	v25 =	vor.u32 v0, v7;
	v14 =	vmul.f32 $8.000000000e+00, v14;
	[tilespmem:v16+s20+$0x0] =	vst.idx.msk $0xffff, v4  }
0xa8: {  	[tilespmem:v10+s20+$0x0] =	vst.idx.msk $0xffff, v9;
	v4 =	vmul.f32 $8.000000000e+00, v17;
	v9 =	vor.u32 v0, v6;
	v10 =	vld [tilespmem:s25+$0x190]  }
0xa9: {  	[tilespmem:v18+s20+$0x0] =	vst.idx.msk $0xffff, v14;
	v14 =	vmul.f32 $8.000000000e+00, v19;
	v16 =	vor.u32 v0, v5;
	v11 =	vld [tilespmem:s25+$0xFFFFFE10]  }
0xaa: {  	v18 =	vor.u32 v1, v15;
	v17 =	vld [tilespmem:s25+$0xFFFFFE90];
	[tilespmem:v22+s20+$0x0] =	vst.idx.msk $0xffff, v4;
	v4 =	vmul.f32 $8.000000000e+00, v23  }
0xab: {  	v19 =	vor.u32 v1, v13;
	v22 =	vld [tilespmem:s25+$0xFFFFFF10];
	[tilespmem:v12+s20+$0x0] =	vst.idx.msk $0xffff, v14;
	v12 =	vmul.f32 $8.000000000e+00, v24  }
0xac: {  	v14 =	vor.u32 v1, v20;
	v23 =	vld [tilespmem:s25+$0xFFFFFF90];
	[tilespmem:v25+s20+$0x0] =	vst.idx.msk $0xffff, v4;
	v4 =	vmul.f32 $8.000000000e+00, v26  }
0xad: {  	v24 =	vor.u32 v1, v21;
	v25 =	vld [tilespmem:s25+$0x10];
	[tilespmem:v9+s20+$0x0] =	vst.idx.msk $0xffff, v12;
	v9 =	vmul.f32 $8.000000000e+00, v10  }
0xae: {  	v10 =	vmul.f32 $8.000000000e+00, v11;
	v11 =	vor.u32 v1, v8;
	v12 =	vld [tilespmem:s25+$0x90];
	[tilespmem:v16+s20+$0x0] =	vst.idx.msk $0xffff, v4  }
0xaf: {  	v4 =	vmul.f32 $8.000000000e+00, v17;
	v16 =	vor.u32 v1, v7;
	v17 =	vld [tilespmem:s25+$0x110];
	[tilespmem:v18+s20+$0x0] =	vst.idx.msk $0xffff, v9  }
0xb0: {  	v29 =	vor.u32 v2, v20;
	[tilespmem:v19+s20+$0x0] =	vst.idx.msk $0xffff, v10;
	v10 =	vmul.f32 $8.000000000e+00, v22;
	v18 =	vor.u32 v1, v6;
	v19 =	vld [tilespmem:s25+$0x1A0]  }
0xb1: {  	v27 =	vor.u32 v2, v13;
	[tilespmem:v14+s20+$0x0] =	vst.idx.msk $0xffff, v4;
	v14 =	vor.u32 v1, v5;
	v22 =	vld [tilespmem:s25+$0xFFFFFE20];
	v4 =	vmul.f32 $8.000000000e+00, v23  }
0xb2: {  	s31 =	simm.s32 $0x8;
	v31 =	vor.u32 v2, v21;
	v26 =	vld [tilespmem:s25+$0xFFFFFEA0];
	[tilespmem:v24+s20+$0x0] =	vst.idx.msk $0xffff, v10;
	v10 =	vmul.f32 $8.000000000e+00, v25;
	v24 =	vor.u32 v2, v15  }
0xb3: {  	s29 =	simm.s32 $0x9;
	v34 =	vor.u32 v2, v8;
	v9 =	vmov s31;
	v61 =	vld [tilespmem:s25+$0xFFFFFF20];
	[tilespmem:v11+s20+$0x0] =	vst.idx.msk $0xffff, v4;
	v4 =	vmul.f32 $8.000000000e+00, v12  }
0xb4: {  	s31 =	simm.s32 $0xA;
	v9 =	vand.u32 $0x78, v9;
	v23 =	vmov s29;
	s29 =	simm.s32 $0xB;
	v30 =	vld [tilespmem:s25+$0xFFFFFFA0];
	[tilespmem:v16+s20+$0x0] =	vst.idx.msk $0xffff, v10;
	v10 =	vmul.f32 $8.000000000e+00, v17  }
0xb5: {  	v25 =	vmov s31;
	s31 =	simm.s32 $0xC;
	v11 =	vmov s29;
	s29 =	simm.s32 $0xD;
	v32 =	vld [tilespmem:s25+$0x20];
	[tilespmem:v18+s20+$0x0] =	vst.idx.msk $0xffff, v4;
	v4 =	vmul.f32 $8.000000000e+00, v19  }
0xb6: {  	v16 =	vmov s31;
	v33 =	vmov s29;
	s31 =	simm.s32 $0xE;
	v17 =	vmul.f32 $8.000000000e+00, v22;
	v35 =	vld [tilespmem:s25+$0xA0];
	[tilespmem:v14+s20+$0x0] =	vst.idx.msk $0xffff, v10  }
0xb7: {  	v12 =	vmov s31;
	v10 =	vmul.f32 $8.000000000e+00, v26;
	v26 =	vor.u32 v2, v7;
	v36 =	vld [tilespmem:s25+$0x120];
	[tilespmem:v24+s20+$0x0] =	vst.idx.msk $0xffff, v4  }
0xb8: {  	v4 =	vbroadcast v9, $0x0;
	[tilespmem:v27+s20+$0x0] =	vst.idx.msk $0xffff, v17;
	v9 =	vmul.f32 $8.000000000e+00, v61;
	v27 =	vor.u32 v2, v6;
	v62 =	vld [tilespmem:s25+$0x1B0]  }
0xb9: {  	v17 =	vand.u32 $0x79, v23;
	[tilespmem:v29+s20+$0x0] =	vst.idx.msk $0xffff, v10;
	v23 =	vor.u32 v2, v5;
	v22 =	vld [tilespmem:s25+$0xFFFFFE30];
	v10 =	vmul.f32 $8.000000000e+00, v30  }
0xba: {  	v14 =	vand.u32 $0x7A, v25;
	v24 =	vld [tilespmem:s25+$0xFFFFFEB0];
	[tilespmem:v31+s20+$0x0] =	vst.idx.msk $0xffff, v9;
	v25 =	vmul.f32 $8.000000000e+00, v32;
	v9 =	vor.u32 v3, v15  }
0xbb: {  	v18 =	vor.u32 v3, v13;
	v16 =	vand.u32 $0x7C, v16;
	v19 =	vld [tilespmem:s25+$0xFFFFFF30];
	[tilespmem:v34+s20+$0x0] =	vst.idx.msk $0xffff, v10;
	v63 =	vmul.f32 $8.000000000e+00, v35  }
0xbc: {  	v15 =	vand.u32 $0x7B, v11;
	v11 =	vor.u32 v3, v20;
	v20 =	vld [tilespmem:s25+$0xFFFFFFB0];
	[tilespmem:v26+s20+$0x0] =	vst.idx.msk $0xffff, v25;
	v25 =	vmul.f32 $8.000000000e+00, v36  }
0xbd: {  	s28 =	simm.s32 $0xF;
	s26 =	simm.s32 $0x10;
	v13 =	vand.u32 $0x7D, v33;
	v10 =	vor.u32 v3, v21;
	v21 =	vld [tilespmem:s25+$0x30];
	[tilespmem:v27+s20+$0x0] =	vst.idx.msk $0xffff, v63;
	v26 =	vmul.f32 $8.000000000e+00, v62  }
.LBB2_5:
0xbe: {  	p0 =	slt.u32 s26, $0x78;
	v27 =	vmov s28;
	v22 =	vmul.f32 $8.000000000e+00, v22;
	v8 =	vor.u32 v3, v8;
	v28 =	vld [tilespmem:s25+$0xB0];
	[tilespmem:v23+s20+$0x0] =	vst.idx.msk $0xffff, v25  }
0xbf: {  	v7 =	vor.u32 v3, v7;
	v23 =	vand.u32 $0x7F, v27;
	v24 =	vmul.f32 $8.000000000e+00, v24;
	v25 =	vld [tilespmem:s25+$0x130];
	[tilespmem:v9+s20+$0x0] =	vst.idx.msk $0xffff, v26;
	s25 =	sadd.s32 $0x400, s25  }
0xc0: {  	v6 =	vor.u32 v3, v6;
	v26 =	vld [tilespmem:s25+$0x180];
	v9 =	vbroadcast v23, $0x0;
	[tilespmem:v18+s20+$0x0] =	vst.idx.msk $0xffff, v22;
	v18 =	vmul.f32 $8.000000000e+00, v19  }
0xc1: {  	v12 =	vand.u32 $0x7E, v12;
	v5 =	vor.u32 v3, v5;
	v19 =	vld [tilespmem:s25+$0xFFFFFE00];
	[tilespmem:v11+s20+$0x0] =	vst.idx.msk $0xffff, v24;
	v20 =	vmul.f32 $8.000000000e+00, v20  }
0xc2: {  	v11 =	vbroadcast v17, $0x0;
	v22 =	vld [tilespmem:s25+$0xFFFFFE80];
	v17 =	vor.u32 v0, v9;
	[tilespmem:v10+s20+$0x0] =	vst.idx.msk $0xffff, v18;
	v18 =	vmul.f32 $8.000000000e+00, v21  }
0xc3: {  	v21 =	vor.u32 v0, v4;
	v10 =	vbroadcast v14, $0x0;
	v23 =	vld [tilespmem:s25+$0xFFFFFF00];
	[tilespmem:v8+s20+$0x0] =	vst.idx.msk $0xffff, v20;
	v14 =	vmul.f32 $8.000000000e+00, v28  }
0xc4: {  	v20 =	vor.u32 v0, v11;
	v8 =	vbroadcast v15, $0x0;
	v24 =	vld [tilespmem:s25+$0xFFFFFF80];
	[tilespmem:v7+s20+$0x0] =	vst.idx.msk $0xffff, v18;
	v15 =	vmul.f32 $8.000000000e+00, v25  }
0xc5: {  	v18 =	vor.u32 v0, v10;
	v7 =	vbroadcast v16, $0x0;
	v25 =	vld [tilespmem:s25+$0x0];
	v16 =	vmul.f32 $8.000000000e+00, v26;
	[tilespmem:v6+s20+$0x0] =	vst.idx.msk $0xffff, v14  }
0xc6: {  	v6 =	vbroadcast v13, $0x0;
	v14 =	vmul.f32 $8.000000000e+00, v19;
	v19 =	vor.u32 v0, v8;
	v26 =	vld [tilespmem:s25+$0x80];
	[tilespmem:v5+s20+$0x0] =	vst.idx.msk $0xffff, v15  }
0xc7: {  	v15 =	vor.u32 v0, v7;
	v5 =	vbroadcast v12, $0x0;
	v13 =	vmul.f32 $8.000000000e+00, v22;
	v22 =	vld [tilespmem:s25+$0x100];
	[tilespmem:v17+s20+$0x0] =	vst.idx.msk $0xffff, v16  }
0xc8: {  	[tilespmem:v21+s20+$0x0] =	vst.idx.msk $0xffff, v14;
	v12 =	vmul.f32 $8.000000000e+00, v23;
	v14 =	vor.u32 v0, v6;
	v16 =	vld [tilespmem:s25+$0x190]  }
0xc9: {  	v17 =	vld [tilespmem:s25+$0xFFFFFE10];
	[tilespmem:v20+s20+$0x0] =	vst.idx.msk $0xffff, v13;
	v13 =	vmul.f32 $8.000000000e+00, v24;
	v20 =	vor.u32 v0, v5  }
0xca: {  	v21 =	vld [tilespmem:s25+$0xFFFFFE90];
	[tilespmem:v18+s20+$0x0] =	vst.idx.msk $0xffff, v12;
	v12 =	vmul.f32 $8.000000000e+00, v25;
	v18 =	vor.u32 v1, v9  }
0xcb: {  	v23 =	vor.u32 v1, v4;
	v24 =	vld [tilespmem:s25+$0xFFFFFF10];
	[tilespmem:v19+s20+$0x0] =	vst.idx.msk $0xffff, v13;
	v13 =	vmul.f32 $8.000000000e+00, v26  }
0xcc: {  	v19 =	vor.u32 v1, v11;
	v25 =	vld [tilespmem:s25+$0xFFFFFF90];
	[tilespmem:v15+s20+$0x0] =	vst.idx.msk $0xffff, v12;
	v12 =	vmul.f32 $8.000000000e+00, v22  }
0xcd: {  	v15 =	vor.u32 v1, v10;
	v22 =	vld [tilespmem:s25+$0x10];
	[tilespmem:v14+s20+$0x0] =	vst.idx.msk $0xffff, v13;
	v13 =	vmul.f32 $8.000000000e+00, v16  }
0xce: {  	v16 =	vor.u32 v1, v8;
	v14 =	vmul.f32 $8.000000000e+00, v17;
	v17 =	vld [tilespmem:s25+$0x90];
	[tilespmem:v20+s20+$0x0] =	vst.idx.msk $0xffff, v12  }
0xcf: {  	v20 =	vor.u32 v1, v7;
	v12 =	vmul.f32 $8.000000000e+00, v21;
	v21 =	vld [tilespmem:s25+$0x110];
	[tilespmem:v18+s20+$0x0] =	vst.idx.msk $0xffff, v13  }
0xd0: {  	v13 =	vmov s26;
	v18 =	vor.u32 v1, v6;
	[tilespmem:v23+s20+$0x0] =	vst.idx.msk $0xffff, v14;
	v14 =	vmul.f32 $8.000000000e+00, v24;
	v23 =	vld [tilespmem:s25+$0x1A0]  }
0xd1: {  	s28 =	sadd.s32 $0x1, s26;
	v13 =	vand.u32 $0x78, v13;
	v24 =	vld [tilespmem:s25+$0xFFFFFE20];
	[tilespmem:v19+s20+$0x0] =	vst.idx.msk $0xffff, v12;
	v12 =	vmul.f32 $8.000000000e+00, v25;
	v19 =	vor.u32 v1, v5  }
0xd2: {  	v25 =	vmov s28;
	s28 =	sadd.s32 $0x2, s26;
	v26 =	vld [tilespmem:s25+$0xFFFFFEA0];
	[tilespmem:v15+s20+$0x0] =	vst.idx.msk $0xffff, v14;
	v14 =	vmul.f32 $8.000000000e+00, v22;
	v15 =	vor.u32 v2, v9  }
0xd3: {  	v27 =	vmov s28;
	s28 =	sadd.s32 $0x3, s26;
	v22 =	vor.u32 v2, v4;
	v28 =	vld [tilespmem:s25+$0xFFFFFF20];
	[tilespmem:v16+s20+$0x0] =	vst.idx.msk $0xffff, v12;
	v12 =	vmul.f32 $8.000000000e+00, v17  }
0xd4: {  	v29 =	vor.u32 v2, v11;
	v16 =	vmov s28;
	s28 =	sadd.s32 $0x4, s26;
	v30 =	vld [tilespmem:s25+$0xFFFFFFA0];
	[tilespmem:v20+s20+$0x0] =	vst.idx.msk $0xffff, v14;
	v14 =	vmul.f32 $8.000000000e+00, v21  }
0xd5: {  	v20 =	vmov s28;
	s28 =	sadd.s32 $0x5, s26;
	v21 =	vor.u32 v2, v10;
	v31 =	vld [tilespmem:s25+$0x20];
	[tilespmem:v18+s20+$0x0] =	vst.idx.msk $0xffff, v12;
	v17 =	vmul.f32 $8.000000000e+00, v23  }
0xd6: {  	v33 =	vor.u32 v2, v8;
	v32 =	vmov s28;
	s28 =	sadd.s32 $0x6, s26;
	v18 =	vmul.f32 $8.000000000e+00, v24;
	v34 =	vld [tilespmem:s25+$0xA0];
	[tilespmem:v19+s20+$0x0] =	vst.idx.msk $0xffff, v14  }
0xd7: {  	v12 =	vmov s28;
	v14 =	vmul.f32 $8.000000000e+00, v26;
	v26 =	vor.u32 v2, v7;
	v35 =	vld [tilespmem:s25+$0x120];
	[tilespmem:v15+s20+$0x0] =	vst.idx.msk $0xffff, v17  }
0xd8: {  	v13 =	vbroadcast v13, $0x0;
	[tilespmem:v22+s20+$0x0] =	vst.idx.msk $0xffff, v18;
	v15 =	vmul.f32 $8.000000000e+00, v28;
	v28 =	vor.u32 v2, v6;
	v36 =	vld [tilespmem:s25+$0x1B0]  }
.Ltmp1:
0xd9: {  	v23 =	vor.u32 v2, v5;
	v17 =	vand.u32 $0x79, v25;
	v22 =	vld [tilespmem:s25+$0xFFFFFE30];
	[tilespmem:v29+s20+$0x0] =	vst.idx.msk $0xffff, v14;
	v25 =	vmul.f32 $8.000000000e+00, v30;
	(pc) =	sbr.rel @p0 .LBB2_5-.Ltmp1, $4  }
0xda: {  	v9 =	vor.u32 v3, v9;
	v14 =	vand.u32 $0x7A, v27;
	v24 =	vld [tilespmem:s25+$0xFFFFFEB0];
	[tilespmem:v21+s20+$0x0] =	vst.idx.msk $0xffff, v15;
	v21 =	vmul.f32 $8.000000000e+00, v31  }
0xdb: {  	v18 =	vor.u32 v3, v4;
	v4 =	vmovc v13;
	v15 =	vand.u32 $0x7B, v16;
	v19 =	vld [tilespmem:s25+$0xFFFFFF30];
	[tilespmem:v33+s20+$0x0] =	vst.idx.msk $0xffff, v25;
	v27 =	vmul.f32 $8.000000000e+00, v34  }
0xdc: {  	v11 =	vor.u32 v3, v11;
	v16 =	vand.u32 $0x7C, v20;
	v20 =	vld [tilespmem:s25+$0xFFFFFFB0];
	[tilespmem:v26+s20+$0x0] =	vst.idx.msk $0xffff, v21;
	v25 =	vmul.f32 $8.000000000e+00, v35  }
0xdd: {  	v10 =	vor.u32 v3, v10;
	s28 =	sadd.s32 $0x7, s26;
	s26 =	sadd.s32 $0x8, s26;
	v13 =	vand.u32 $0x7D, v32;
	v21 =	vld [tilespmem:s25+$0x30];
	[tilespmem:v28+s20+$0x0] =	vst.idx.msk $0xffff, v27;
	v26 =	vmul.f32 $8.000000000e+00, v36  }
0xde: {  	_ =	sdelay $0x3  }
0xdf: {  	v27 =	vmov s28;
	v22 =	vmul.f32 $8.000000000e+00, v22;
	v8 =	vor.u32 v3, v8;
	v28 =	vld [tilespmem:s25+$0xB0];
	[tilespmem:v23+s20+$0x0] =	vst.idx.msk $0xffff, v25  }
0xe0: {  	v7 =	vor.u32 v3, v7;
	s29 =	sadd.s32 $0x400, s25;
	v6 =	vor.u32 v3, v6;
	v24 =	vmul.f32 $8.000000000e+00, v24;
	v25 =	vld [tilespmem:s25+$0x130];
	[tilespmem:v9+s20+$0x0] =	vst.idx.msk $0xffff, v26  }
0xe1: {  	v12 =	vand.u32 $0x7E, v12;
	v55 =	vand.u32 $0x7F, v27;
	v58 =	vld [tilespmem:s29+$0xFFFFFE00];
	[tilespmem:v18+s20+$0x0] =	vst.idx.msk $0xffff, v22;
	v57 =	vmul.f32 $8.000000000e+00, v19  }
0xe2: {  	v5 =	vor.u32 v3, v5;
	v56 =	vld [tilespmem:s29+$0x180];
	v23 =	vbroadcast v55, $0x0;
	[tilespmem:v11+s20+$0x0] =	vst.idx.msk $0xffff, v24;
	v59 =	vmul.f32 $8.000000000e+00, v20  }
0xe3: {  	v17 =	vbroadcast v17, $0x0;
	v63 =	vor.u32 v0, v4;
	v60 =	vld [tilespmem:s29+$0xFFFFFE80];
	[tilespmem:v10+s20+$0x0] =	vst.idx.msk $0xffff, v57;
	v62 =	vmul.f32 $8.000000000e+00, v21  }
0xe4: {  	v14 =	vbroadcast v14, $0x0;
	v29 =	vld [tilespmem:s29+$0xFFFFFF00];
	v61 =	vor.u32 v0, v23;
	[tilespmem:v8+s20+$0x0] =	vst.idx.msk $0xffff, v59;
	v30 =	vmul.f32 $8.000000000e+00, v28  }
0xe5: {  	v15 =	vbroadcast v15, $0x0;
	v32 =	vld [tilespmem:s29+$0xFFFFFF80];
	v31 =	vor.u32 v0, v17;
	[tilespmem:v7+s20+$0x0] =	vst.idx.msk $0xffff, v62;
	v33 =	vmul.f32 $8.000000000e+00, v25  }
0xe6: {  	v16 =	vbroadcast v16, $0x0;
	v35 =	vld [tilespmem:s29+$0x0];
	v34 =	vor.u32 v0, v14;
	v36 =	vmul.f32 $8.000000000e+00, v58;
	[tilespmem:v6+s20+$0x0] =	vst.idx.msk $0xffff, v30  }
0xe7: {  	v13 =	vbroadcast v13, $0x0;
	v38 =	vld [tilespmem:s29+$0x80];
	v37 =	vor.u32 v0, v15;
	v9 =	vmul.f32 $8.000000000e+00, v56;
	[tilespmem:v5+s20+$0x0] =	vst.idx.msk $0xffff, v33  }
0xe8: {  	v40 =	vld [tilespmem:s29+$0x100];
	v12 =	vbroadcast v12, $0x0;
	v39 =	vor.u32 v0, v16;
	v5 =	vmul.f32 $8.000000000e+00, v60;
	[tilespmem:v63+s20+$0x0] =	vst.idx.msk $0xffff, v36  }
0xe9: {  	v42 =	vor.u32 v0, v13;
	v41 =	vmul.f32 $8.000000000e+00, v29;
	[tilespmem:v61+s20+$0x0] =	vst.idx.msk $0xffff, v9;
	v44 =	vld [tilespmem:s29+$0xFFFFFE10]  }
0xea: {  	v45 =	vor.u32 v0, v12;
	v43 =	vld [tilespmem:s29+$0x190];
	[tilespmem:v31+s20+$0x0] =	vst.idx.msk $0xffff, v5;
	v5 =	vmul.f32 $8.000000000e+00, v32  }
0xeb: {  	v49 =	vor.u32 v1, v4;
	v47 =	vmul.f32 $8.000000000e+00, v35;
	[tilespmem:v34+s20+$0x0] =	vst.idx.msk $0xffff, v41;
	v46 =	vld [tilespmem:s29+$0xFFFFFE90]  }
0xec: {  	v48 =	vor.u32 v1, v23;
	v50 =	vld [tilespmem:s29+$0xFFFFFF10];
	[tilespmem:v37+s20+$0x0] =	vst.idx.msk $0xffff, v5;
	v5 =	vmul.f32 $8.000000000e+00, v38  }
0xed: {  	v51 =	vor.u32 v1, v17;
	v53 =	vmul.f32 $8.000000000e+00, v40;
	[tilespmem:v39+s20+$0x0] =	vst.idx.msk $0xffff, v47;
	v52 =	vld [tilespmem:s29+$0xFFFFFF90]  }
0xee: {  	v54 =	vor.u32 v1, v14;
	v55 =	vld [tilespmem:s29+$0x10];
	[tilespmem:v42+s20+$0x0] =	vst.idx.msk $0xffff, v5;
	v56 =	vmul.f32 $8.000000000e+00, v44  }
0xef: {  	v57 =	vor.u32 v1, v15;
	[tilespmem:v45+s20+$0x0] =	vst.idx.msk $0xffff, v53;
	v5 =	vmul.f32 $8.000000000e+00, v43;
	v58 =	vld [tilespmem:s29+$0x90]  }
0xf0: {  	v60 =	vor.u32 v1, v16;
	v61 =	vld [tilespmem:s29+$0x110];
	v59 =	vmul.f32 $8.000000000e+00, v46;
	[tilespmem:v49+s20+$0x0] =	vst.idx.msk $0xffff, v56  }
0xf1: {  	v62 =	vor.u32 v1, v13;
	[tilespmem:v48+s20+$0x0] =	vst.idx.msk $0xffff, v5;
	v5 =	vmul.f32 $8.000000000e+00, v50;
	v24 =	vld [tilespmem:s29+$0xFFFFFE20]  }
0xf2: {  	v28 =	vor.u32 v1, v12;
	v10 =	vld [tilespmem:s29+$0x1A0];
	[tilespmem:v51+s20+$0x0] =	vst.idx.msk $0xffff, v59;
	v63 =	vmul.f32 $8.000000000e+00, v52  }
0xf3: {  	v31 =	vor.u32 v2, v4;
	v29 =	vld [tilespmem:s29+$0xFFFFFEA0];
	[tilespmem:v54+s20+$0x0] =	vst.idx.msk $0xffff, v5;
	v5 =	vmul.f32 $8.000000000e+00, v55  }
0xf4: {  	v30 =	vor.u32 v2, v23;
	v32 =	vld [tilespmem:s29+$0xFFFFFF20];
	[tilespmem:v57+s20+$0x0] =	vst.idx.msk $0xffff, v63;
	v33 =	vmul.f32 $8.000000000e+00, v58  }
0xf5: {  	v34 =	vor.u32 v2, v17;
	v35 =	vld [tilespmem:s29+$0xFFFFFFA0];
	[tilespmem:v60+s20+$0x0] =	vst.idx.msk $0xffff, v5;
	v5 =	vmul.f32 $8.000000000e+00, v61  }
0xf6: {  	v36 =	vor.u32 v2, v14;
	v37 =	vld [tilespmem:s29+$0x20];
	[tilespmem:v62+s20+$0x0] =	vst.idx.msk $0xffff, v33;
	v39 =	vmul.f32 $8.000000000e+00, v24  }
0xf7: {  	v40 =	vor.u32 v2, v15;
	v38 =	vmul.f32 $8.000000000e+00, v10;
	v41 =	vld [tilespmem:s29+$0xA0];
	[tilespmem:v28+s20+$0x0] =	vst.idx.msk $0xffff, v5  }
0xf8: {  	v42 =	vor.u32 v2, v16;
	v5 =	vmul.f32 $8.000000000e+00, v29;
	v43 =	vld [tilespmem:s29+$0x120];
	[tilespmem:v31+s20+$0x0] =	vst.idx.msk $0xffff, v39  }
0xf9: {  	v45 =	vor.u32 v2, v13;
	[tilespmem:v30+s20+$0x0] =	vst.idx.msk $0xffff, v38;
	v44 =	vmul.f32 $8.000000000e+00, v32;
	v20 =	vld [tilespmem:s29+$0xFFFFFE30]  }
0xfa: {  	v47 =	vor.u32 v2, v12;
	v46 =	vld [tilespmem:s29+$0x1B0];
	[tilespmem:v34+s20+$0x0] =	vst.idx.msk $0xffff, v5;
	v5 =	vmul.f32 $8.000000000e+00, v35  }
0xfb: {  	v4 =	vor.u32 v3, v4;
	v48 =	vld [tilespmem:s29+$0xFFFFFEB0];
	[tilespmem:v36+s20+$0x0] =	vst.idx.msk $0xffff, v44;
	v49 =	vmul.f32 $8.000000000e+00, v37  }
0xfc: {  	v50 =	vor.u32 v3, v23;
	v51 =	vld [tilespmem:s29+$0xFFFFFF30];
	[tilespmem:v40+s20+$0x0] =	vst.idx.msk $0xffff, v5;
	v5 =	vmul.f32 $8.000000000e+00, v41  }
0xfd: {  	v52 =	vor.u32 v3, v17;
	v53 =	vld [tilespmem:s29+$0xFFFFFFB0];
	[tilespmem:v42+s20+$0x0] =	vst.idx.msk $0xffff, v49;
	v54 =	vmul.f32 $8.000000000e+00, v43  }
0xfe: {  	v55 =	vor.u32 v3, v14;
	v56 =	vld [tilespmem:s29+$0x30];
	[tilespmem:v45+s20+$0x0] =	vst.idx.msk $0xffff, v5;
	v57 =	vmul.f32 $8.000000000e+00, v20  }
0xff: {  	v58 =	vor.u32 v3, v15;
	v5 =	vmul.f32 $8.000000000e+00, v46;
	v59 =	vld [tilespmem:s29+$0xB0];
	[tilespmem:v47+s20+$0x0] =	vst.idx.msk $0xffff, v54  }
0x100: {  	v16 =	vor.u32 v3, v16;
	v60 =	vmul.f32 $8.000000000e+00, v48;
	v18 =	vld [tilespmem:s29+$0x130];
	[tilespmem:v4+s20+$0x0] =	vst.idx.msk $0xffff, v57  }
0x101: {  	[tilespmem:v50+s20+$0x0] =	vst.idx.msk $0xffff, v5;
	v4 =	vmul.f32 $8.000000000e+00, v51;
	v5 =	vor.u32 v3, v13  }
0x102: {  	s23 =	sadd.s32 $0x1, s23;
	v62 =	vor.u32 v3, v12;
	[tilespmem:v52+s20+$0x0] =	vst.idx.msk $0xffff, v60;
	v61 =	vmul.f32 $8.000000000e+00, v53  }
0x103: {  	s24 =	sadd.s32 s4, s24;
	p0 =	sne.s32 s23, $0x64;
	[tilespmem:v55+s20+$0x0] =	vst.idx.msk $0xffff, v4;
	v4 =	vmul.f32 $8.000000000e+00, v56  }
.Ltmp2:
0x104: {  	s31 =	sshll.u32 s24, $0x7;
	[tilespmem:v58+s20+$0x0] =	vst.idx.msk $0xffff, v61;
	v63 =	vmul.f32 $8.000000000e+00, v59;
	(pc) =	sbr.rel @p0 .LBB2_2-.Ltmp2, $4  }
0x105: {  	s24 =	sshll.u32 s24, $0xA;
	s25 =	sand.u32 $0x3F80, s31;
	[tilespmem:v16+s20+$0x0] =	vst.idx.msk $0xffff, v4;
	v4 =	vmul.f32 $8.000000000e+00, v18  }
0x106: {  	s24 =	sand.u32 $0xFFE0000, s24;
	s25 =	sadd.s32 s3, s25;
	[tilespmem:v5+s20+$0x0] =	vst.idx.msk $0xffff, v63  }
0x107: {  	s24 =	sadd.s32 s24, s25;
	[tilespmem:v62+s20+$0x0] =	vst.idx.msk $0xffff, v4  }
0x108: {  	[hbm4b:s24+s18] =	stream.strided.scatter [tilespmem:s20], [sflag:$0x3], $0x2000, s19, s18, $0x38;
	[tilespmem:$0xC100] =	vst v63  }
0x109: {  	s22 =	sadd.s32 $0x1, s22  }
0x10a: {  	_ =	swait.ge [sflag:s21], $0x2000;
	p0 =	sne.s32 s22, s11  }
.Ltmp3:
0x10b: {  	[sflag:s21] =	ssyncset.done $0x0;
	(pc) =	sbr.rel @p0 .LBB2_1-.Ltmp3, $4  }
0x10c: {  	[sflag:s21] =	ssyncadd.s32 $0xFFFFE000  }
0x10d: {  	_ =	swait.ge [sflag:s21], $0x2000  }
0x10e: {  	[sflag:s21] =	ssyncset.done $0x0  }
0x10f: {  	[sflag:s21] =	ssyncadd.s32 $0xFFFFE000  }
0x110: {  	_ =	sfence.sel $0x180000  }
0x111: {  	[bflag:$0x0] =	sbarrier.arrive $0xFFFF  }
0x112: {  	p0 =	sne.s32 s0, $0x0;
	_ =	strace $0x90000047  }
0x113: {  	s0 =	sadd.s32 @!p0 $0x100000, s1;
	[bflag:$0x2] =	sbarrier.arrive $0xFFFF  }
0x114: {  	[sflag:s0] =	ssyncadd.tile.s32 @!p0 $0x1;
	_ =	shalt  }
.Lfunc_end2:
_tile_overlayer_lowered:
.L_overlay_start_2:
0x115: {  	(tag) =	ssettag $0x2  }
0x116: {  	s0 =	rddreg [dreg:$0x0];
	s2 =	stileid.u32  }
0x117: {  	s1 =	rddreg [dreg:$0x1];
	p0 =	sne.s32 s2, $0x0  }
0x118: {  	s3 =	rddreg [dreg:$0x2];
	[bflag:$0x3] =	sbarrier.arrive $0xFFFF;
	s2 =	simm.s32 @!p0 $0x1C04  }
0x119: {  	[timem:s3], [sflag:s2] =	dma.local @!p0 [hbm:s0], s1  }
0x11a: {  	s0 =	simm.s32 @!p0 $0x4  }
0x11b: {  	_ =	swait.ge @!p0 [sflag:s0], s1  }
0x11c: {  	s1 =	ssub.s32 @!p0 $0x0, s1;
	[sflag:s0] =	ssyncset.done @!p0 $0x0  }
0x11d: {  	[sflag:s0] =	ssyncadd.s32 @!p0 s1  }
0x11e: {  	[bflag:$0x3] =	sbarrier.arrive $0xFFFF  }
0x11f: {  	_ =	shalt  }

</sc_bundles>
